<compile_context>
chip_gen: v7x
topology: tpu7x:2x2x1
jax: 0.10.2.dev20260603
libtpu: 0.0.44.dev20260713+nightly
codegen_flags: <defaults>
</compile_context>

<pallas_src>
import functools

import jax
import jax.numpy as jnp
from jax import lax
from jax.experimental import pallas as pl
from jax.experimental.pallas import tpu as pltpu
from jax.experimental.pallas import tpu_sc as plsc

T_STEPS = 30
BANDS = 5
W = 512
H = 512
ROWS = BANDS * W
NC = 2
NS = 16
L = 16
NW = NC * NS
RPW = ROWS // NW
RG = 2
NG = RPW // RG
VPG = RG * H // L


def _minmax_tc_body(x_ref, o_ref):
    x = x_ref[...]
    mn = jnp.min(x)
    mx = jnp.max(x)
    rows = lax.broadcasted_iota(jnp.int32, (8, 128), 0)
    o_ref[...] = jnp.where(rows == 0, mn, mx)


def _encode_body(in_hbm, mm_hbm, out_hbm,
                 in0, in1, blk0, blk1, tid0, tid1, all_v,
                 is0, is1, os0, os1):
    cid = lax.axis_index("c")
    sid = lax.axis_index("s")
    wid = cid * NS + sid

    pltpu.sync_copy(mm_hbm, all_v)
    mn = all_v[0, pl.ds(0, L)]
    mx_vec = all_v[1, pl.ds(0, L)]
    recip = 1.0 / (mx_vec - mn + 1e-8)
    iota = lax.iota(jnp.int32, L)

    zeros = jnp.zeros((L,), jnp.float32)
    ones = jnp.full((L,), 1.0, jnp.float32)
    ins = (in0, in1)
    blks = (blk0, blk1)
    tids = (tid0, tid1)
    isems = (is0, is1)
    osems = (os0, os1)
    NB = 2

    for blk in blks:
        def zero_t(t, _, blk=blk):
            for r in range(RG):
                for j in range(H // L):
                    blk[t, r, pl.ds(j * L, L)] = zeros
            return 0

        lax.fori_loop(0, T_STEPS, zero_t, 0)

    def in_start(g, b):
        row0 = wid * RPW + g * RG
        pltpu.async_copy(in_hbm.at[pl.ds(row0 * H, RG * H)], ins[b], isems[b])

    def in_wait(b):
        pltpu.make_async_copy(in_hbm.at[pl.ds(0, RG * H)], ins[b],
                              isems[b]).wait()

    def out_start(g, b):
        row0 = wid * RPW + g * RG
        pltpu.async_copy(blks[b], out_hbm.at[:, pl.ds(row0, RG), :], osems[b])

    def out_wait(b):
        pltpu.make_async_copy(blks[b], out_hbm.at[:, pl.ds(0, RG), :],
                              osems[b]).wait()

    def restore(b):
        blk, tid_v = blks[b], tids[b]

        def restore_vec(i, _):
            t = tid_v[pl.ds(i * L, L)]
            r_vec = jnp.full((L,), (i * L) // H, jnp.int32)
            j_vec = ((i * L) % H) + iota
            plsc.store_scatter(blk, [t, r_vec, j_vec], zeros)
            return 0

        lax.fori_loop(0, VPG, restore_vec, 0)

    def encode(b):
        blk, tid_v, in_v = blks[b], tids[b], ins[b]

        def enc_vec(i, _):
            x = in_v[pl.ds(i * L, L)]
            lat = (1.0 - (x - mn) * recip) * (T_STEPS - 1.0)
            t = jnp.clip(lat.astype(jnp.int32), 0, T_STEPS - 1)
            tid_v[pl.ds(i * L, L)] = t
            r_vec = jnp.full((L,), (i * L) // H, jnp.int32)
            j_vec = ((i * L) % H) + iota
            plsc.store_scatter(blk, [t, r_vec, j_vec], ones)
            return 0

        lax.fori_loop(0, VPG, enc_vec, 0)

    for b in range(NB):
        in_start(b, b)

    def pair(p, _):
        for b in range(NB):
            g = p * NB + b
            in_wait(b)

            @pl.when(p >= 1)
            def _():
                out_wait(b)
                restore(b)

            encode(b)
            out_start(g, b)

            @pl.when(p < NG // NB - 1)
            def _():
                in_start(g + NB, b)

        return 0

    lax.fori_loop(0, NG // NB, pair, 0)
    for b in range(NB):
        out_wait(b)


@functools.cache
def _build():
    mesh = plsc.VectorSubcoreMesh(core_axis_name="c", subcore_axis_name="s")
    minmax = pl.pallas_call(
        _minmax_tc_body,
        out_shape=jax.ShapeDtypeStruct((8, 128), jnp.float32),
    )
    encode = pl.kernel(
        _encode_body,
        out_type=jax.ShapeDtypeStruct((T_STEPS, ROWS, H), jnp.float32),
        mesh=mesh,
        compiler_params=pltpu.CompilerParams(needs_layout_passes=False),
        scratch_types=(
            [pltpu.VMEM((RG * H,), jnp.float32)] * 2
            + [pltpu.VMEM((T_STEPS, RG, H), jnp.float32)] * 2
            + [pltpu.VMEM((RG * H,), jnp.int32)] * 2
            + [pltpu.VMEM((8, 128), jnp.float32)]
            + [pltpu.SemaphoreType.DMA] * 4
        ),
    )

    def run(flat2d):
        partials = minmax(flat2d)
        return encode(flat2d.reshape(ROWS * H), partials)

    return run


def kernel(topo_5xwxh):
    out = _build()(topo_5xwxh.reshape(ROWS, H))
    return out.reshape(T_STEPS, BANDS, W, H)

# --- scband reference (transcript-rebuilt; emitter-appended) ---
"""Pipeline reference for scband-spike-encoder-50697793962790 (READ-ONLY COPY).

The authoritative reference and input builder live on the scoring server;
editing this copy changes nothing except your own understanding.
"""

import jax, jax.numpy as jnp
import numpy as np

T_STEPS = 30

def setup_inputs(seed: int = 0) -> dict:
    key = jax.random.key(seed)
    topo = jax.random.uniform(key, (5, 512, 512), dtype=jnp.float32)
    return {"topo_5xwxh": topo}

def reference(topo_5xwxh):
    topo = topo_5xwxh
    topo = (topo - topo.min()) / (topo.max() - topo.min() + 1e-08)
    w, h = topo.shape[1], topo.shape[2]
    # latency encoding: higher intensity -> earlier spike time
    latency = (1.0 - topo) * (T_STEPS - 1)
    t_idx = jax.lax.stop_gradient(latency).astype(jnp.int32)  # int() truncation (values >= 0)
    t_idx = jnp.clip(t_idx, 0, T_STEPS - 1)
    b_idx, i_idx, j_idx = jnp.meshgrid(
        jnp.arange(5), jnp.arange(w), jnp.arange(h), indexing='ij')
    spikes = jnp.zeros((T_STEPS, 5, w, h), dtype=jnp.float32)
    # scatter-overwrite: one spike per (band, i, j) at its computed latency time
    spikes = spikes.at[t_idx, b_idx, i_idx, j_idx].set(1.0)
    return spikes

if __name__ == "__main__":
    import jax
    _d = setup_inputs()
    print(jax.jit(kernel)(*tuple(_d.values())))

</pallas_src>

<mosaic_0001>
#map = affine_map<(d0, d1) -> (0)>
#map1 = affine_map<(d0, d1) -> (0, 0)>
#map2 = affine_map<(d0, d1) -> (0, 0, 0)>
module attributes {stable_mosaic.version = 14 : i64} {
  func.func @_encode_body(%arg0: i32, %arg1: i32, %arg2: memref<1310720xf32, #tpu.memory_space<hbm>>, %arg3: memref<8x128xf32, #tpu.memory_space<hbm>>, %arg4: memref<30x2560x512xf32, #tpu.memory_space<hbm>>, %arg5: memref<1024xf32, #tpu.memory_space<vmem>>, %arg6: memref<1024xf32, #tpu.memory_space<vmem>>, %arg7: memref<30x2x512xf32, #tpu.memory_space<vmem>>, %arg8: memref<30x2x512xf32, #tpu.memory_space<vmem>>, %arg9: memref<1024xi32, #tpu.memory_space<vmem>>, %arg10: memref<1024xi32, #tpu.memory_space<vmem>>, %arg11: memref<8x128xf32, #tpu.memory_space<vmem>>, %arg12: memref<!tpu.dma_semaphore, #tpu.memory_space<semaphore_mem>>, %arg13: memref<!tpu.dma_semaphore, #tpu.memory_space<semaphore_mem>>, %arg14: memref<!tpu.dma_semaphore, #tpu.memory_space<semaphore_mem>>, %arg15: memref<!tpu.dma_semaphore, #tpu.memory_space<semaphore_mem>>) attributes {dimension_semantics = [#tpu.dimension_semantics<core_parallel>, #tpu.dimension_semantics<subcore_parallel>], iteration_bounds = array<i64: 2, 16>, scalar_prefetch = 0 : i64, scratch_operands = 11 : i64, tpu.core_type = #tpu.core_type<sc_vector_subcore>, window_params = [{transform_indices = #map}, {transform_indices = #map1}, {transform_indices = #map2}]} {
    %mul3A = arith.constant 16 : i32
    %mul3A_0 = arith.muli %arg0, %mul3A : i32
    %add3A = arith.addi %mul3A_0, %arg1 : i32
    "tpu.region"() ({
      %run_scoped3A = tpu.sem_alloc : memref<!tpu.dma_semaphore, #tpu.memory_space<semaphore_mem>>
      tpu.enqueue_dma source(%arg3 : memref<8x128xf32, #tpu.memory_space<hbm>>) target(%arg11 : memref<8x128xf32, #tpu.memory_space<vmem>>) target_semaphore(%run_scoped3A : memref<!tpu.dma_semaphore, #tpu.memory_space<semaphore_mem>>)
      tpu.wait_dma2 semaphore(%run_scoped3A : memref<!tpu.dma_semaphore, #tpu.memory_space<semaphore_mem>>) src(%arg3 : memref<8x128xf32, #tpu.memory_space<hbm>>) dst(%arg11 : memref<8x128xf32, #tpu.memory_space<vmem>>)
      tpu.yield
    }) : () -> ()
    %get3A = arith.constant 0 : i32
    %get3A_1 = arith.index_cast %get3A : i32 to index
    %get3A_2 = arith.constant 0 : index
    %get3A_3 = tpu.vector_load %arg11[%get3A_1, %get3A_2] {strides = array<i32>} : memref<8x128xf32, #tpu.memory_space<vmem>>, vector<16xf32>,
    %get3A_4 = arith.constant 1 : i32
    %get3A_5 = arith.index_cast %get3A_4 : i32 to index
    %get3A_6 = arith.constant 0 : index
    %get3A_7 = tpu.vector_load %arg11[%get3A_5, %get3A_6] {strides = array<i32>} : memref<8x128xf32, #tpu.memory_space<vmem>>, vector<16xf32>,
    %sub3A = arith.subf %get3A_7, %get3A_3 : vector<16xf32>
    %add3A_8 = arith.constant 9.99999993E-9 : f32
    %add3A_9 = vector.broadcast %add3A_8 : f32 to vector<16xf32>
    %add3A_10 = arith.addf %sub3A, %add3A_9 : vector<16xf32>
    %div3A = arith.constant 1.000000e+00 : f32
    %div3A_11 = vector.broadcast %div3A : f32 to vector<16xf32>
    %div3A_12 = arith.divf %div3A_11, %add3A_10 : vector<16xf32>
    %iota3A = tpu.iota {dimensions = array<i32: 0>} : vector<16xi32>
    %broadcast_in_dim3A = arith.constant 0.000000e+00 : f32
    %broadcast_in_dim3A_13 = vector.broadcast %broadcast_in_dim3A : f32 to vector<16xf32>
    %broadcast_in_dim3A_14 = arith.constant 1.000000e+00 : f32
    %broadcast_in_dim3A_15 = vector.broadcast %broadcast_in_dim3A_14 : f32 to vector<16xf32>
    %scan3A = arith.constant 0 : i32
    %scan3A_16 = arith.constant 0 : i32
    %scan3A_17 = arith.constant 30 : i32
    %scan3A_18 = arith.addi %scan3A_16, %scan3A_17 : i32
    %scan3A_19 = arith.constant 1 : i32
    %scan3A_20 = scf.for %scan3A_66 = %scan3A_16 to %scan3A_18 step %scan3A_19 iter_args(%scan3A_67 = %scan3A) -> (i32)  : i32 {
      %swap3A = arith.constant 0 : i32
      %swap3A_68 = arith.index_cast %scan3A_66 : i32 to index
      %swap3A_69 = arith.index_cast %swap3A : i32 to index
      %swap3A_70 = arith.constant 0 : index
      %swap3A_71 = tpu.vector_load %arg7[%swap3A_68, %swap3A_69, %swap3A_70] {strides = array<i32>} : memref<30x2x512xf32, #tpu.memory_space<vmem>>, vector<16xf32>,
      tpu.vector_store %arg7[%swap3A_68, %swap3A_69, %swap3A_70], %broadcast_in_dim3A_13 {strides = array<i32>} : memref<30x2x512xf32, #tpu.memory_space<vmem>>, vector<16xf32>,
      %swap3A_72 = arith.constant 0 : i32
      %swap3A_73 = arith.index_cast %scan3A_66 : i32 to index
      %swap3A_74 = arith.index_cast %swap3A_72 : i32 to index
      %swap3A_75 = arith.constant 16 : index
      %swap3A_76 = tpu.vector_load %arg7[%swap3A_73, %swap3A_74, %swap3A_75] {strides = array<i32>} : memref<30x2x512xf32, #tpu.memory_space<vmem>>, vector<16xf32>,
      tpu.vector_store %arg7[%swap3A_73, %swap3A_74, %swap3A_75], %broadcast_in_dim3A_13 {strides = array<i32>} : memref<30x2x512xf32, #tpu.memory_space<vmem>>, vector<16xf32>,
      %swap3A_77 = arith.constant 0 : i32
      %swap3A_78 = arith.index_cast %scan3A_66 : i32 to index
      %swap3A_79 = arith.index_cast %swap3A_77 : i32 to index
      %swap3A_80 = arith.constant 32 : index
      %swap3A_81 = tpu.vector_load %arg7[%swap3A_78, %swap3A_79, %swap3A_80] {strides = array<i32>} : memref<30x2x512xf32, #tpu.memory_space<vmem>>, vector<16xf32>,
      tpu.vector_store %arg7[%swap3A_78, %swap3A_79, %swap3A_80], %broadcast_in_dim3A_13 {strides = array<i32>} : memref<30x2x512xf32, #tpu.memory_space<vmem>>, vector<16xf32>,
      %swap3A_82 = arith.constant 0 : i32
      %swap3A_83 = arith.index_cast %scan3A_66 : i32 to index
      %swap3A_84 = arith.index_cast %swap3A_82 : i32 to index
      %swap3A_85 = arith.constant 48 : index
      %swap3A_86 = tpu.vector_load %arg7[%swap3A_83, %swap3A_84, %swap3A_85] {strides = array<i32>} : memref<30x2x512xf32, #tpu.memory_space<vmem>>, vector<16xf32>,
      tpu.vector_store %arg7[%swap3A_83, %swap3A_84, %swap3A_85], %broadcast_in_dim3A_13 {strides = array<i32>} : memref<30x2x512xf32, #tpu.memory_space<vmem>>, vector<16xf32>,
      %swap3A_87 = arith.constant 0 : i32
      %swap3A_88 = arith.index_cast %scan3A_66 : i32 to index
      %swap3A_89 = arith.index_cast %swap3A_87 : i32 to index
      %swap3A_90 = arith.constant 64 : index
      %swap3A_91 = tpu.vector_load %arg7[%swap3A_88, %swap3A_89, %swap3A_90] {strides = array<i32>} : memref<30x2x512xf32, #tpu.memory_space<vmem>>, vector<16xf32>,
      tpu.vector_store %arg7[%swap3A_88, %swap3A_89, %swap3A_90], %broadcast_in_dim3A_13 {strides = array<i32>} : memref<30x2x512xf32, #tpu.memory_space<vmem>>, vector<16xf32>,
      %swap3A_92 = arith.constant 0 : i32
      %swap3A_93 = arith.index_cast %scan3A_66 : i32 to index
      %swap3A_94 = arith.index_cast %swap3A_92 : i32 to index
      %swap3A_95 = arith.constant 80 : index
      %swap3A_96 = tpu.vector_load %arg7[%swap3A_93, %swap3A_94, %swap3A_95] {strides = array<i32>} : memref<30x2x512xf32, #tpu.memory_space<vmem>>, vector<16xf32>,
      tpu.vector_store %arg7[%swap3A_93, %swap3A_94, %swap3A_95], %broadcast_in_dim3A_13 {strides = array<i32>} : memref<30x2x512xf32, #tpu.memory_space<vmem>>, vector<16xf32>,
      %swap3A_97 = arith.constant 0 : i32
      %swap3A_98 = arith.index_cast %scan3A_66 : i32 to index
      %swap3A_99 = arith.index_cast %swap3A_97 : i32 to index
      %swap3A_100 = arith.constant 96 : index
      %swap3A_101 = tpu.vector_load %arg7[%swap3A_98, %swap3A_99, %swap3A_100] {strides = array<i32>} : memref<30x2x512xf32, #tpu.memory_space<vmem>>, vector<16xf32>,
      tpu.vector_store %arg7[%swap3A_98, %swap3A_99, %swap3A_100], %broadcast_in_dim3A_13 {strides = array<i32>} : memref<30x2x512xf32, #tpu.memory_space<vmem>>, vector<16xf32>,
      %swap3A_102 = arith.constant 0 : i32
      %swap3A_103 = arith.index_cast %scan3A_66 : i32 to index
      %swap3A_104 = arith.index_cast %swap3A_102 : i32 to index
      %swap3A_105 = arith.constant 112 : index
      %swap3A_106 = tpu.vector_load %arg7[%swap3A_103, %swap3A_104, %swap3A_105] {strides = array<i32>} : memref<30x2x512xf32, #tpu.memory_space<vmem>>, vector<16xf32>,
      tpu.vector_store %arg7[%swap3A_103, %swap3A_104, %swap3A_105], %broadcast_in_dim3A_13 {strides = array<i32>} : memref<30x2x512xf32, #tpu.memory_space<vmem>>, vector<16xf32>,
      %swap3A_107 = arith.constant 0 : i32
      %swap3A_108 = arith.index_cast %scan3A_66 : i32 to index
      %swap3A_109 = arith.index_cast %swap3A_107 : i32 to index
      %swap3A_110 = arith.constant 128 : index
      %swap3A_111 = tpu.vector_load %arg7[%swap3A_108, %swap3A_109, %swap3A_110] {strides = array<i32>} : memref<30x2x512xf32, #tpu.memory_space<vmem>>, vector<16xf32>,
      tpu.vector_store %arg7[%swap3A_108, %swap3A_109, %swap3A_110], %broadcast_in_dim3A_13 {strides = array<i32>} : memref<30x2x512xf32, #tpu.memory_space<vmem>>, vector<16xf32>,
      %swap3A_112 = arith.constant 0 : i32
      %swap3A_113 = arith.index_cast %scan3A_66 : i32 to index
      %swap3A_114 = arith.index_cast %swap3A_112 : i32 to index
      %swap3A_115 = arith.constant 144 : index
      %swap3A_116 = tpu.vector_load %arg7[%swap3A_113, %swap3A_114, %swap3A_115] {strides = array<i32>} : memref<30x2x512xf32, #tpu.memory_space<vmem>>, vector<16xf32>,
      tpu.vector_store %arg7[%swap3A_113, %swap3A_114, %swap3A_115], %broadcast_in_dim3A_13 {strides = array<i32>} : memref<30x2x512xf32, #tpu.memory_space<vmem>>, vector<16xf32>,
      %swap3A_117 = arith.constant 0 : i32
      %swap3A_118 = arith.index_cast %scan3A_66 : i32 to index
      %swap3A_119 = arith.index_cast %swap3A_117 : i32 to index
      %swap3A_120 = arith.constant 160 : index
      %swap3A_121 = tpu.vector_load %arg7[%swap3A_118, %swap3A_119, %swap3A_120] {strides = array<i32>} : memref<30x2x512xf32, #tpu.memory_space<vmem>>, vector<16xf32>,
      tpu.vector_store %arg7[%swap3A_118, %swap3A_119, %swap3A_120], %broadcast_in_dim3A_13 {strides = array<i32>} : memref<30x2x512xf32, #tpu.memory_space<vmem>>, vector<16xf32>,
      %swap3A_122 = arith.constant 0 : i32
      %swap3A_123 = arith.index_cast %scan3A_66 : i32 to index
      %swap3A_124 = arith.index_cast %swap3A_122 : i32 to index
      %swap3A_125 = arith.constant 176 : index
      %swap3A_126 = tpu.vector_load %arg7[%swap3A_123, %swap3A_124, %swap3A_125] {strides = array<i32>} : memref<30x2x512xf32, #tpu.memory_space<vmem>>, vector<16xf32>,
      tpu.vector_store %arg7[%swap3A_123, %swap3A_124, %swap3A_125], %broadcast_in_dim3A_13 {strides = array<i32>} : memref<30x2x512xf32, #tpu.memory_space<vmem>>, vector<16xf32>,
      %swap3A_127 = arith.constant 0 : i32
      %swap3A_128 = arith.index_cast %scan3A_66 : i32 to index
      %swap3A_129 = arith.index_cast %swap3A_127 : i32 to index
      %swap3A_130 = arith.constant 192 : index
      %swap3A_131 = tpu.vector_load %arg7[%swap3A_128, %swap3A_129, %swap3A_130] {strides = array<i32>} : memref<30x2x512xf32, #tpu.memory_space<vmem>>, vector<16xf32>,
      tpu.vector_store %arg7[%swap3A_128, %swap3A_129, %swap3A_130], %broadcast_in_dim3A_13 {strides = array<i32>} : memref<30x2x512xf32, #tpu.memory_space<vmem>>, vector<16xf32>,
      %swap3A_132 = arith.constant 0 : i32
      %swap3A_133 = arith.index_cast %scan3A_66 : i32 to index
      %swap3A_134 = arith.index_cast %swap3A_132 : i32 to index
      %swap3A_135 = arith.constant 208 : index
      %swap3A_136 = tpu.vector_load %arg7[%swap3A_133, %swap3A_134, %swap3A_135] {strides = array<i32>} : memref<30x2x512xf32, #tpu.memory_space<vmem>>, vector<16xf32>,
      tpu.vector_store %arg7[%swap3A_133, %swap3A_134, %swap3A_135], %broadcast_in_dim3A_13 {strides = array<i32>} : memref<30x2x512xf32, #tpu.memory_space<vmem>>, vector<16xf32>,
      %swap3A_137 = arith.constant 0 : i32
      %swap3A_138 = arith.index_cast %scan3A_66 : i32 to index
      %swap3A_139 = arith.index_cast %swap3A_137 : i32 to index
      %swap3A_140 = arith.constant 224 : index
      %swap3A_141 = tpu.vector_load %arg7[%swap3A_138, %swap3A_139, %swap3A_140] {strides = array<i32>} : memref<30x2x512xf32, #tpu.memory_space<vmem>>, vector<16xf32>,
      tpu.vector_store %arg7[%swap3A_138, %swap3A_139, %swap3A_140], %broadcast_in_dim3A_13 {strides = array<i32>} : memref<30x2x512xf32, #tpu.memory_space<vmem>>, vector<16xf32>,
      %swap3A_142 = arith.constant 0 : i32
      %swap3A_143 = arith.index_cast %scan3A_66 : i32 to index
      %swap3A_144 = arith.index_cast %swap3A_142 : i32 to index
      %swap3A_145 = arith.constant 240 : index
      %swap3A_146 = tpu.vector_load %arg7[%swap3A_143, %swap3A_144, %swap3A_145] {strides = array<i32>} : memref<30x2x512xf32, #tpu.memory_space<vmem>>, vector<16xf32>,
      tpu.vector_store %arg7[%swap3A_143, %swap3A_144, %swap3A_145], %broadcast_in_dim3A_13 {strides = array<i32>} : memref<30x2x512xf32, #tpu.memory_space<vmem>>, vector<16xf32>,
      %swap3A_147 = arith.constant 0 : i32
      %swap3A_148 = arith.index_cast %scan3A_66 : i32 to index
      %swap3A_149 = arith.index_cast %swap3A_147 : i32 to index
      %swap3A_150 = arith.constant 256 : index
      %swap3A_151 = tpu.vector_load %arg7[%swap3A_148, %swap3A_149, %swap3A_150] {strides = array<i32>} : memref<30x2x512xf32, #tpu.memory_space<vmem>>, vector<16xf32>,
      tpu.vector_store %arg7[%swap3A_148, %swap3A_149, %swap3A_150], %broadcast_in_dim3A_13 {strides = array<i32>} : memref<30x2x512xf32, #tpu.memory_space<vmem>>, vector<16xf32>,
      %swap3A_152 = arith.constant 0 : i32
      %swap3A_153 = arith.index_cast %scan3A_66 : i32 to index
      %swap3A_154 = arith.index_cast %swap3A_152 : i32 to index
      %swap3A_155 = arith.constant 272 : index
      %swap3A_156 = tpu.vector_load %arg7[%swap3A_153, %swap3A_154, %swap3A_155] {strides = array<i32>} : memref<30x2x512xf32, #tpu.memory_space<vmem>>, vector<16xf32>,
      tpu.vector_store %arg7[%swap3A_153, %swap3A_154, %swap3A_155], %broadcast_in_dim3A_13 {strides = array<i32>} : memref<30x2x512xf32, #tpu.memory_space<vmem>>, vector<16xf32>,
      %swap3A_157 = arith.constant 0 : i32
      %swap3A_158 = arith.index_cast %scan3A_66 : i32 to index
      %swap3A_159 = arith.index_cast %swap3A_157 : i32 to index
      %swap3A_160 = arith.constant 288 : index
      %swap3A_161 = tpu.vector_load %arg7[%swap3A_158, %swap3A_159, %swap3A_160] {strides = array<i32>} : memref<30x2x512xf32, #tpu.memory_space<vmem>>, vector<16xf32>,
      tpu.vector_store %arg7[%swap3A_158, %swap3A_159, %swap3A_160], %broadcast_in_dim3A_13 {strides = array<i32>} : memref<30x2x512xf32, #tpu.memory_space<vmem>>, vector<16xf32>,
      %swap3A_162 = arith.constant 0 : i32
      %swap3A_163 = arith.index_cast %scan3A_66 : i32 to index
      %swap3A_164 = arith.index_cast %swap3A_162 : i32 to index
      %swap3A_165 = arith.constant 304 : index
      %swap3A_166 = tpu.vector_load %arg7[%swap3A_163, %swap3A_164, %swap3A_165] {strides = array<i32>} : memref<30x2x512xf32, #tpu.memory_space<vmem>>, vector<16xf32>,
      tpu.vector_store %arg7[%swap3A_163, %swap3A_164, %swap3A_165], %broadcast_in_dim3A_13 {strides = array<i32>} : memref<30x2x512xf32, #tpu.memory_space<vmem>>, vector<16xf32>,
      %swap3A_167 = arith.constant 0 : i32
      %swap3A_168 = arith.index_cast %scan3A_66 : i32 to index
      %swap3A_169 = arith.index_cast %swap3A_167 : i32 to index
      %swap3A_170 = arith.constant 320 : index
      %swap3A_171 = tpu.vector_load %arg7[%swap3A_168, %swap3A_169, %swap3A_170] {strides = array<i32>} : memref<30x2x512xf32, #tpu.memory_space<vmem>>, vector<16xf32>,
      tpu.vector_store %arg7[%swap3A_168, %swap3A_169, %swap3A_170], %broadcast_in_dim3A_13 {strides = array<i32>} : memref<30x2x512xf32, #tpu.memory_space<vmem>>, vector<16xf32>,
      %swap3A_172 = arith.constant 0 : i32
      %swap3A_173 = arith.index_cast %scan3A_66 : i32 to index
      %swap3A_174 = arith.index_cast %swap3A_172 : i32 to index
      %swap3A_175 = arith.constant 336 : index
      %swap3A_176 = tpu.vector_load %arg7[%swap3A_173, %swap3A_174, %swap3A_175] {strides = array<i32>} : memref<30x2x512xf32, #tpu.memory_space<vmem>>, vector<16xf32>,
      tpu.vector_store %arg7[%swap3A_173, %swap3A_174, %swap3A_175], %broadcast_in_dim3A_13 {strides = array<i32>} : memref<30x2x512xf32, #tpu.memory_space<vmem>>, vector<16xf32>,
      %swap3A_177 = arith.constant 0 : i32
      %swap3A_178 = arith.index_cast %scan3A_66 : i32 to index
      %swap3A_179 = arith.index_cast %swap3A_177 : i32 to index
      %swap3A_180 = arith.constant 352 : index
      %swap3A_181 = tpu.vector_load %arg7[%swap3A_178, %swap3A_179, %swap3A_180] {strides = array<i32>} : memref<30x2x512xf32, #tpu.memory_space<vmem>>, vector<16xf32>,
      tpu.vector_store %arg7[%swap3A_178, %swap3A_179, %swap3A_180], %broadcast_in_dim3A_13 {strides = array<i32>} : memref<30x2x512xf32, #tpu.memory_space<vmem>>, vector<16xf32>,
      %swap3A_182 = arith.constant 0 : i32
      %swap3A_183 = arith.index_cast %scan3A_66 : i32 to index
      %swap3A_184 = arith.index_cast %swap3A_182 : i32 to index
      %swap3A_185 = arith.constant 368 : index
      %swap3A_186 = tpu.vector_load %arg7[%swap3A_183, %swap3A_184, %swap3A_185] {strides = array<i32>} : memref<30x2x512xf32, #tpu.memory_space<vmem>>, vector<16xf32>,
      tpu.vector_store %arg7[%swap3A_183, %swap3A_184, %swap3A_185], %broadcast_in_dim3A_13 {strides = array<i32>} : memref<30x2x512xf32, #tpu.memory_space<vmem>>, vector<16xf32>,
      %swap3A_187 = arith.constant 0 : i32
      %swap3A_188 = arith.index_cast %scan3A_66 : i32 to index
      %swap3A_189 = arith.index_cast %swap3A_187 : i32 to index
      %swap3A_190 = arith.constant 384 : index
      %swap3A_191 = tpu.vector_load %arg7[%swap3A_188, %swap3A_189, %swap3A_190] {strides = array<i32>} : memref<30x2x512xf32, #tpu.memory_space<vmem>>, vector<16xf32>,
      tpu.vector_store %arg7[%swap3A_188, %swap3A_189, %swap3A_190], %broadcast_in_dim3A_13 {strides = array<i32>} : memref<30x2x512xf32, #tpu.memory_space<vmem>>, vector<16xf32>,
      %swap3A_192 = arith.constant 0 : i32
      %swap3A_193 = arith.index_cast %scan3A_66 : i32 to index
      %swap3A_194 = arith.index_cast %swap3A_192 : i32 to index
      %swap3A_195 = arith.constant 400 : index
      %swap3A_196 = tpu.vector_load %arg7[%swap3A_193, %swap3A_194, %swap3A_195] {strides = array<i32>} : memref<30x2x512xf32, #tpu.memory_space<vmem>>, vector<16xf32>,
      tpu.vector_store %arg7[%swap3A_193, %swap3A_194, %swap3A_195], %broadcast_in_dim3A_13 {strides = array<i32>} : memref<30x2x512xf32, #tpu.memory_space<vmem>>, vector<16xf32>,
      %swap3A_197 = arith.constant 0 : i32
      %swap3A_198 = arith.index_cast %scan3A_66 : i32 to index
      %swap3A_199 = arith.index_cast %swap3A_197 : i32 to index
      %swap3A_200 = arith.constant 416 : index
      %swap3A_201 = tpu.vector_load %arg7[%swap3A_198, %swap3A_199, %swap3A_200] {strides = array<i32>} : memref<30x2x512xf32, #tpu.memory_space<vmem>>, vector<16xf32>,
      tpu.vector_store %arg7[%swap3A_198, %swap3A_199, %swap3A_200], %broadcast_in_dim3A_13 {strides = array<i32>} : memref<30x2x512xf32, #tpu.memory_space<vmem>>, vector<16xf32>,
      %swap3A_202 = arith.constant 0 : i32
      %swap3A_203 = arith.index_cast %scan3A_66 : i32 to index
      %swap3A_204 = arith.index_cast %swap3A_202 : i32 to index
      %swap3A_205 = arith.constant 432 : index
      %swap3A_206 = tpu.vector_load %arg7[%swap3A_203, %swap3A_204, %swap3A_205] {strides = array<i32>} : memref<30x2x512xf32, #tpu.memory_space<vmem>>, vector<16xf32>,
      tpu.vector_store %arg7[%swap3A_203, %swap3A_204, %swap3A_205], %broadcast_in_dim3A_13 {strides = array<i32>} : memref<30x2x512xf32, #tpu.memory_space<vmem>>, vector<16xf32>,
      %swap3A_207 = arith.constant 0 : i32
      %swap3A_208 = arith.index_cast %scan3A_66 : i32 to index
      %swap3A_209 = arith.index_cast %swap3A_207 : i32 to index
      %swap3A_210 = arith.constant 448 : index
      %swap3A_211 = tpu.vector_load %arg7[%swap3A_208, %swap3A_209, %swap3A_210] {strides = array<i32>} : memref<30x2x512xf32, #tpu.memory_space<vmem>>, vector<16xf32>,
      tpu.vector_store %arg7[%swap3A_208, %swap3A_209, %swap3A_210], %broadcast_in_dim3A_13 {strides = array<i32>} : memref<30x2x512xf32, #tpu.memory_space<vmem>>, vector<16xf32>,
      %swap3A_212 = arith.constant 0 : i32
      %swap3A_213 = arith.index_cast %scan3A_66 : i32 to index
      %swap3A_214 = arith.index_cast %swap3A_212 : i32 to index
      %swap3A_215 = arith.constant 464 : index
      %swap3A_216 = tpu.vector_load %arg7[%swap3A_213, %swap3A_214, %swap3A_215] {strides = array<i32>} : memref<30x2x512xf32, #tpu.memory_space<vmem>>, vector<16xf32>,
      tpu.vector_store %arg7[%swap3A_213, %swap3A_214, %swap3A_215], %broadcast_in_dim3A_13 {strides = array<i32>} : memref<30x2x512xf32, #tpu.memory_space<vmem>>, vector<16xf32>,
      %swap3A_217 = arith.constant 0 : i32
      %swap3A_218 = arith.index_cast %scan3A_66 : i32 to index
      %swap3A_219 = arith.index_cast %swap3A_217 : i32 to index
      %swap3A_220 = arith.constant 480 : index
      %swap3A_221 = tpu.vector_load %arg7[%swap3A_218, %swap3A_219, %swap3A_220] {strides = array<i32>} : memref<30x2x512xf32, #tpu.memory_space<vmem>>, vector<16xf32>,
      tpu.vector_store %arg7[%swap3A_218, %swap3A_219, %swap3A_220], %broadcast_in_dim3A_13 {strides = array<i32>} : memref<30x2x512xf32, #tpu.memory_space<vmem>>, vector<16xf32>,
      %swap3A_222 = arith.constant 0 : i32
      %swap3A_223 = arith.index_cast %scan3A_66 : i32 to index
      %swap3A_224 = arith.index_cast %swap3A_222 : i32 to index
      %swap3A_225 = arith.constant 496 : index
      %swap3A_226 = tpu.vector_load %arg7[%swap3A_223, %swap3A_224, %swap3A_225] {strides = array<i32>} : memref<30x2x512xf32, #tpu.memory_space<vmem>>, vector<16xf32>,
      tpu.vector_store %arg7[%swap3A_223, %swap3A_224, %swap3A_225], %broadcast_in_dim3A_13 {strides = array<i32>} : memref<30x2x512xf32, #tpu.memory_space<vmem>>, vector<16xf32>,
      %swap3A_227 = arith.constant 1 : i32
      %swap3A_228 = arith.index_cast %scan3A_66 : i32 to index
      %swap3A_229 = arith.index_cast %swap3A_227 : i32 to index
      %swap3A_230 = arith.constant 0 : index
      %swap3A_231 = tpu.vector_load %arg7[%swap3A_228, %swap3A_229, %swap3A_230] {strides = array<i32>} : memref<30x2x512xf32, #tpu.memory_space<vmem>>, vector<16xf32>,
      tpu.vector_store %arg7[%swap3A_228, %swap3A_229, %swap3A_230], %broadcast_in_dim3A_13 {strides = array<i32>} : memref<30x2x512xf32, #tpu.memory_space<vmem>>, vector<16xf32>,
      %swap3A_232 = arith.constant 1 : i32
      %swap3A_233 = arith.index_cast %scan3A_66 : i32 to index
      %swap3A_234 = arith.index_cast %swap3A_232 : i32 to index
      %swap3A_235 = arith.constant 16 : index
      %swap3A_236 = tpu.vector_load %arg7[%swap3A_233, %swap3A_234, %swap3A_235] {strides = array<i32>} : memref<30x2x512xf32, #tpu.memory_space<vmem>>, vector<16xf32>,
      tpu.vector_store %arg7[%swap3A_233, %swap3A_234, %swap3A_235], %broadcast_in_dim3A_13 {strides = array<i32>} : memref<30x2x512xf32, #tpu.memory_space<vmem>>, vector<16xf32>,
      %swap3A_237 = arith.constant 1 : i32
      %swap3A_238 = arith.index_cast %scan3A_66 : i32 to index
      %swap3A_239 = arith.index_cast %swap3A_237 : i32 to index
      %swap3A_240 = arith.constant 32 : index
      %swap3A_241 = tpu.vector_load %arg7[%swap3A_238, %swap3A_239, %swap3A_240] {strides = array<i32>} : memref<30x2x512xf32, #tpu.memory_space<vmem>>, vector<16xf32>,
      tpu.vector_store %arg7[%swap3A_238, %swap3A_239, %swap3A_240], %broadcast_in_dim3A_13 {strides = array<i32>} : memref<30x2x512xf32, #tpu.memory_space<vmem>>, vector<16xf32>,
      %swap3A_242 = arith.constant 1 : i32
      %swap3A_243 = arith.index_cast %scan3A_66 : i32 to index
      %swap3A_244 = arith.index_cast %swap3A_242 : i32 to index
      %swap3A_245 = arith.constant 48 : index
      %swap3A_246 = tpu.vector_load %arg7[%swap3A_243, %swap3A_244, %swap3A_245] {strides = array<i32>} : memref<30x2x512xf32, #tpu.memory_space<vmem>>, vector<16xf32>,
      tpu.vector_store %arg7[%swap3A_243, %swap3A_244, %swap3A_245], %broadcast_in_dim3A_13 {strides = array<i32>} : memref<30x2x512xf32, #tpu.memory_space<vmem>>, vector<16xf32>,
      %swap3A_247 = arith.constant 1 : i32
      %swap3A_248 = arith.index_cast %scan3A_66 : i32 to index
      %swap3A_249 = arith.index_cast %swap3A_247 : i32 to index
      %swap3A_250 = arith.constant 64 : index
      %swap3A_251 = tpu.vector_load %arg7[%swap3A_248, %swap3A_249, %swap3A_250] {strides = array<i32>} : memref<30x2x512xf32, #tpu.memory_space<vmem>>, vector<16xf32>,
      tpu.vector_store %arg7[%swap3A_248, %swap3A_249, %swap3A_250], %broadcast_in_dim3A_13 {strides = array<i32>} : memref<30x2x512xf32, #tpu.memory_space<vmem>>, vector<16xf32>,
      %swap3A_252 = arith.constant 1 : i32
      %swap3A_253 = arith.index_cast %scan3A_66 : i32 to index
      %swap3A_254 = arith.index_cast %swap3A_252 : i32 to index
      %swap3A_255 = arith.constant 80 : index
      %swap3A_256 = tpu.vector_load %arg7[%swap3A_253, %swap3A_254, %swap3A_255] {strides = array<i32>} : memref<30x2x512xf32, #tpu.memory_space<vmem>>, vector<16xf32>,
      tpu.vector_store %arg7[%swap3A_253, %swap3A_254, %swap3A_255], %broadcast_in_dim3A_13 {strides = array<i32>} : memref<30x2x512xf32, #tpu.memory_space<vmem>>, vector<16xf32>,
      %swap3A_257 = arith.constant 1 : i32
      %swap3A_258 = arith.index_cast %scan3A_66 : i32 to index
      %swap3A_259 = arith.index_cast %swap3A_257 : i32 to index
      %swap3A_260 = arith.constant 96 : index
      %swap3A_261 = tpu.vector_load %arg7[%swap3A_258, %swap3A_259, %swap3A_260] {strides = array<i32>} : memref<30x2x512xf32, #tpu.memory_space<vmem>>, vector<16xf32>,
      tpu.vector_store %arg7[%swap3A_258, %swap3A_259, %swap3A_260], %broadcast_in_dim3A_13 {strides = array<i32>} : memref<30x2x512xf32, #tpu.memory_space<vmem>>, vector<16xf32>,
      %swap3A_262 = arith.constant 1 : i32
      %swap3A_263 = arith.index_cast %scan3A_66 : i32 to index
      %swap3A_264 = arith.index_cast %swap3A_262 : i32 to index
      %swap3A_265 = arith.constant 112 : index
      %swap3A_266 = tpu.vector_load %arg7[%swap3A_263, %swap3A_264, %swap3A_265] {strides = array<i32>} : memref<30x2x512xf32, #tpu.memory_space<vmem>>, vector<16xf32>,
      tpu.vector_store %arg7[%swap3A_263, %swap3A_264, %swap3A_265], %broadcast_in_dim3A_13 {strides = array<i32>} : memref<30x2x512xf32, #tpu.memory_space<vmem>>, vector<16xf32>,
      %swap3A_267 = arith.constant 1 : i32
      %swap3A_268 = arith.index_cast %scan3A_66 : i32 to index
      %swap3A_269 = arith.index_cast %swap3A_267 : i32 to index
      %swap3A_270 = arith.constant 128 : index
      %swap3A_271 = tpu.vector_load %arg7[%swap3A_268, %swap3A_269, %swap3A_270] {strides = array<i32>} : memref<30x2x512xf32, #tpu.memory_space<vmem>>, vector<16xf32>,
      tpu.vector_store %arg7[%swap3A_268, %swap3A_269, %swap3A_270], %broadcast_in_dim3A_13 {strides = array<i32>} : memref<30x2x512xf32, #tpu.memory_space<vmem>>, vector<16xf32>,
      %swap3A_272 = arith.constant 1 : i32
      %swap3A_273 = arith.index_cast %scan3A_66 : i32 to index
      %swap3A_274 = arith.index_cast %swap3A_272 : i32 to index
      %swap3A_275 = arith.constant 144 : index
      %swap3A_276 = tpu.vector_load %arg7[%swap3A_273, %swap3A_274, %swap3A_275] {strides = array<i32>} : memref<30x2x512xf32, #tpu.memory_space<vmem>>, vector<16xf32>,
      tpu.vector_store %arg7[%swap3A_273, %swap3A_274, %swap3A_275], %broadcast_in_dim3A_13 {strides = array<i32>} : memref<30x2x512xf32, #tpu.memory_space<vmem>>, vector<16xf32>,
      %swap3A_277 = arith.constant 1 : i32
      %swap3A_278 = arith.index_cast %scan3A_66 : i32 to index
      %swap3A_279 = arith.index_cast %swap3A_277 : i32 to index
      %swap3A_280 = arith.constant 160 : index
      %swap3A_281 = tpu.vector_load %arg7[%swap3A_278, %swap3A_279, %swap3A_280] {strides = array<i32>} : memref<30x2x512xf32, #tpu.memory_space<vmem>>, vector<16xf32>,
      tpu.vector_store %arg7[%swap3A_278, %swap3A_279, %swap3A_280], %broadcast_in_dim3A_13 {strides = array<i32>} : memref<30x2x512xf32, #tpu.memory_space<vmem>>, vector<16xf32>,
      %swap3A_282 = arith.constant 1 : i32
      %swap3A_283 = arith.index_cast %scan3A_66 : i32 to index
      %swap3A_284 = arith.index_cast %swap3A_282 : i32 to index
      %swap3A_285 = arith.constant 176 : index
      %swap3A_286 = tpu.vector_load %arg7[%swap3A_283, %swap3A_284, %swap3A_285] {strides = array<i32>} : memref<30x2x512xf32, #tpu.memory_space<vmem>>, vector<16xf32>,
      tpu.vector_store %arg7[%swap3A_283, %swap3A_284, %swap3A_285], %broadcast_in_dim3A_13 {strides = array<i32>} : memref<30x2x512xf32, #tpu.memory_space<vmem>>, vector<16xf32>,
      %swap3A_287 = arith.constant 1 : i32
      %swap3A_288 = arith.index_cast %scan3A_66 : i32 to index
      %swap3A_289 = arith.index_cast %swap3A_287 : i32 to index
      %swap3A_290 = arith.constant 192 : index
      %swap3A_291 = tpu.vector_load %arg7[%swap3A_288, %swap3A_289, %swap3A_290] {strides = array<i32>} : memref<30x2x512xf32, #tpu.memory_space<vmem>>, vector<16xf32>,
      tpu.vector_store %arg7[%swap3A_288, %swap3A_289, %swap3A_290], %broadcast_in_dim3A_13 {strides = array<i32>} : memref<30x2x512xf32, #tpu.memory_space<vmem>>, vector<16xf32>,
      %swap3A_292 = arith.constant 1 : i32
      %swap3A_293 = arith.index_cast %scan3A_66 : i32 to index
      %swap3A_294 = arith.index_cast %swap3A_292 : i32 to index
      %swap3A_295 = arith.constant 208 : index
      %swap3A_296 = tpu.vector_load %arg7[%swap3A_293, %swap3A_294, %swap3A_295] {strides = array<i32>} : memref<30x2x512xf32, #tpu.memory_space<vmem>>, vector<16xf32>,
      tpu.vector_store %arg7[%swap3A_293, %swap3A_294, %swap3A_295], %broadcast_in_dim3A_13 {strides = array<i32>} : memref<30x2x512xf32, #tpu.memory_space<vmem>>, vector<16xf32>,
      %swap3A_297 = arith.constant 1 : i32
      %swap3A_298 = arith.index_cast %scan3A_66 : i32 to index
      %swap3A_299 = arith.index_cast %swap3A_297 : i32 to index
      %swap3A_300 = arith.constant 224 : index
      %swap3A_301 = tpu.vector_load %arg7[%swap3A_298, %swap3A_299, %swap3A_300] {strides = array<i32>} : memref<30x2x512xf32, #tpu.memory_space<vmem>>, vector<16xf32>,
      tpu.vector_store %arg7[%swap3A_298, %swap3A_299, %swap3A_300], %broadcast_in_dim3A_13 {strides = array<i32>} : memref<30x2x512xf32, #tpu.memory_space<vmem>>, vector<16xf32>,
      %swap3A_302 = arith.constant 1 : i32
      %swap3A_303 = arith.index_cast %scan3A_66 : i32 to index
      %swap3A_304 = arith.index_cast %swap3A_302 : i32 to index
      %swap3A_305 = arith.constant 240 : index
      %swap3A_306 = tpu.vector_load %arg7[%swap3A_303, %swap3A_304, %swap3A_305] {strides = array<i32>} : memref<30x2x512xf32, #tpu.memory_space<vmem>>, vector<16xf32>,
      tpu.vector_store %arg7[%swap3A_303, %swap3A_304, %swap3A_305], %broadcast_in_dim3A_13 {strides = array<i32>} : memref<30x2x512xf32, #tpu.memory_space<vmem>>, vector<16xf32>,
      %swap3A_307 = arith.constant 1 : i32
      %swap3A_308 = arith.index_cast %scan3A_66 : i32 to index
      %swap3A_309 = arith.index_cast %swap3A_307 : i32 to index
      %swap3A_310 = arith.constant 256 : index
      %swap3A_311 = tpu.vector_load %arg7[%swap3A_308, %swap3A_309, %swap3A_310] {strides = array<i32>} : memref<30x2x512xf32, #tpu.memory_space<vmem>>, vector<16xf32>,
      tpu.vector_store %arg7[%swap3A_308, %swap3A_309, %swap3A_310], %broadcast_in_dim3A_13 {strides = array<i32>} : memref<30x2x512xf32, #tpu.memory_space<vmem>>, vector<16xf32>,
      %swap3A_312 = arith.constant 1 : i32
      %swap3A_313 = arith.index_cast %scan3A_66 : i32 to index
      %swap3A_314 = arith.index_cast %swap3A_312 : i32 to index
      %swap3A_315 = arith.constant 272 : index
      %swap3A_316 = tpu.vector_load %arg7[%swap3A_313, %swap3A_314, %swap3A_315] {strides = array<i32>} : memref<30x2x512xf32, #tpu.memory_space<vmem>>, vector<16xf32>,
      tpu.vector_store %arg7[%swap3A_313, %swap3A_314, %swap3A_315], %broadcast_in_dim3A_13 {strides = array<i32>} : memref<30x2x512xf32, #tpu.memory_space<vmem>>, vector<16xf32>,
      %swap3A_317 = arith.constant 1 : i32
      %swap3A_318 = arith.index_cast %scan3A_66 : i32 to index
      %swap3A_319 = arith.index_cast %swap3A_317 : i32 to index
      %swap3A_320 = arith.constant 288 : index
      %swap3A_321 = tpu.vector_load %arg7[%swap3A_318, %swap3A_319, %swap3A_320] {strides = array<i32>} : memref<30x2x512xf32, #tpu.memory_space<vmem>>, vector<16xf32>,
      tpu.vector_store %arg7[%swap3A_318, %swap3A_319, %swap3A_320], %broadcast_in_dim3A_13 {strides = array<i32>} : memref<30x2x512xf32, #tpu.memory_space<vmem>>, vector<16xf32>,
      %swap3A_322 = arith.constant 1 : i32
      %swap3A_323 = arith.index_cast %scan3A_66 : i32 to index
      %swap3A_324 = arith.index_cast %swap3A_322 : i32 to index
      %swap3A_325 = arith.constant 304 : index
      %swap3A_326 = tpu.vector_load %arg7[%swap3A_323, %swap3A_324, %swap3A_325] {strides = array<i32>} : memref<30x2x512xf32, #tpu.memory_space<vmem>>, vector<16xf32>,
      tpu.vector_store %arg7[%swap3A_323, %swap3A_324, %swap3A_325], %broadcast_in_dim3A_13 {strides = array<i32>} : memref<30x2x512xf32, #tpu.memory_space<vmem>>, vector<16xf32>,
      %swap3A_327 = arith.constant 1 : i32
      %swap3A_328 = arith.index_cast %scan3A_66 : i32 to index
      %swap3A_329 = arith.index_cast %swap3A_327 : i32 to index
      %swap3A_330 = arith.constant 320 : index
      %swap3A_331 = tpu.vector_load %arg7[%swap3A_328, %swap3A_329, %swap3A_330] {strides = array<i32>} : memref<30x2x512xf32, #tpu.memory_space<vmem>>, vector<16xf32>,
      tpu.vector_store %arg7[%swap3A_328, %swap3A_329, %swap3A_330], %broadcast_in_dim3A_13 {strides = array<i32>} : memref<30x2x512xf32, #tpu.memory_space<vmem>>, vector<16xf32>,
      %swap3A_332 = arith.constant 1 : i32
      %swap3A_333 = arith.index_cast %scan3A_66 : i32 to index
      %swap3A_334 = arith.index_cast %swap3A_332 : i32 to index
      %swap3A_335 = arith.constant 336 : index
      %swap3A_336 = tpu.vector_load %arg7[%swap3A_333, %swap3A_334, %swap3A_335] {strides = array<i32>} : memref<30x2x512xf32, #tpu.memory_space<vmem>>, vector<16xf32>,
      tpu.vector_store %arg7[%swap3A_333, %swap3A_334, %swap3A_335], %broadcast_in_dim3A_13 {strides = array<i32>} : memref<30x2x512xf32, #tpu.memory_space<vmem>>, vector<16xf32>,
      %swap3A_337 = arith.constant 1 : i32
      %swap3A_338 = arith.index_cast %scan3A_66 : i32 to index
      %swap3A_339 = arith.index_cast %swap3A_337 : i32 to index
      %swap3A_340 = arith.constant 352 : index
      %swap3A_341 = tpu.vector_load %arg7[%swap3A_338, %swap3A_339, %swap3A_340] {strides = array<i32>} : memref<30x2x512xf32, #tpu.memory_space<vmem>>, vector<16xf32>,
      tpu.vector_store %arg7[%swap3A_338, %swap3A_339, %swap3A_340], %broadcast_in_dim3A_13 {strides = array<i32>} : memref<30x2x512xf32, #tpu.memory_space<vmem>>, vector<16xf32>,
      %swap3A_342 = arith.constant 1 : i32
      %swap3A_343 = arith.index_cast %scan3A_66 : i32 to index
      %swap3A_344 = arith.index_cast %swap3A_342 : i32 to index
      %swap3A_345 = arith.constant 368 : index
      %swap3A_346 = tpu.vector_load %arg7[%swap3A_343, %swap3A_344, %swap3A_345] {strides = array<i32>} : memref<30x2x512xf32, #tpu.memory_space<vmem>>, vector<16xf32>,
      tpu.vector_store %arg7[%swap3A_343, %swap3A_344, %swap3A_345], %broadcast_in_dim3A_13 {strides = array<i32>} : memref<30x2x512xf32, #tpu.memory_space<vmem>>, vector<16xf32>,
      %swap3A_347 = arith.constant 1 : i32
      %swap3A_348 = arith.index_cast %scan3A_66 : i32 to index
      %swap3A_349 = arith.index_cast %swap3A_347 : i32 to index
      %swap3A_350 = arith.constant 384 : index
      %swap3A_351 = tpu.vector_load %arg7[%swap3A_348, %swap3A_349, %swap3A_350] {strides = array<i32>} : memref<30x2x512xf32, #tpu.memory_space<vmem>>, vector<16xf32>,
      tpu.vector_store %arg7[%swap3A_348, %swap3A_349, %swap3A_350], %broadcast_in_dim3A_13 {strides = array<i32>} : memref<30x2x512xf32, #tpu.memory_space<vmem>>, vector<16xf32>,
      %swap3A_352 = arith.constant 1 : i32
      %swap3A_353 = arith.index_cast %scan3A_66 : i32 to index
      %swap3A_354 = arith.index_cast %swap3A_352 : i32 to index
      %swap3A_355 = arith.constant 400 : index
      %swap3A_356 = tpu.vector_load %arg7[%swap3A_353, %swap3A_354, %swap3A_355] {strides = array<i32>} : memref<30x2x512xf32, #tpu.memory_space<vmem>>, vector<16xf32>,
      tpu.vector_store %arg7[%swap3A_353, %swap3A_354, %swap3A_355], %broadcast_in_dim3A_13 {strides = array<i32>} : memref<30x2x512xf32, #tpu.memory_space<vmem>>, vector<16xf32>,
      %swap3A_357 = arith.constant 1 : i32
      %swap3A_358 = arith.index_cast %scan3A_66 : i32 to index
      %swap3A_359 = arith.index_cast %swap3A_357 : i32 to index
      %swap3A_360 = arith.constant 416 : index
      %swap3A_361 = tpu.vector_load %arg7[%swap3A_358, %swap3A_359, %swap3A_360] {strides = array<i32>} : memref<30x2x512xf32, #tpu.memory_space<vmem>>, vector<16xf32>,
      tpu.vector_store %arg7[%swap3A_358, %swap3A_359, %swap3A_360], %broadcast_in_dim3A_13 {strides = array<i32>} : memref<30x2x512xf32, #tpu.memory_space<vmem>>, vector<16xf32>,
      %swap3A_362 = arith.constant 1 : i32
      %swap3A_363 = arith.index_cast %scan3A_66 : i32 to index
      %swap3A_364 = arith.index_cast %swap3A_362 : i32 to index
      %swap3A_365 = arith.constant 432 : index
      %swap3A_366 = tpu.vector_load %arg7[%swap3A_363, %swap3A_364, %swap3A_365] {strides = array<i32>} : memref<30x2x512xf32, #tpu.memory_space<vmem>>, vector<16xf32>,
      tpu.vector_store %arg7[%swap3A_363, %swap3A_364, %swap3A_365], %broadcast_in_dim3A_13 {strides = array<i32>} : memref<30x2x512xf32, #tpu.memory_space<vmem>>, vector<16xf32>,
      %swap3A_367 = arith.constant 1 : i32
      %swap3A_368 = arith.index_cast %scan3A_66 : i32 to index
      %swap3A_369 = arith.index_cast %swap3A_367 : i32 to index
      %swap3A_370 = arith.constant 448 : index
      %swap3A_371 = tpu.vector_load %arg7[%swap3A_368, %swap3A_369, %swap3A_370] {strides = array<i32>} : memref<30x2x512xf32, #tpu.memory_space<vmem>>, vector<16xf32>,
      tpu.vector_store %arg7[%swap3A_368, %swap3A_369, %swap3A_370], %broadcast_in_dim3A_13 {strides = array<i32>} : memref<30x2x512xf32, #tpu.memory_space<vmem>>, vector<16xf32>,
      %swap3A_372 = arith.constant 1 : i32
      %swap3A_373 = arith.index_cast %scan3A_66 : i32 to index
      %swap3A_374 = arith.index_cast %swap3A_372 : i32 to index
      %swap3A_375 = arith.constant 464 : index
      %swap3A_376 = tpu.vector_load %arg7[%swap3A_373, %swap3A_374, %swap3A_375] {strides = array<i32>} : memref<30x2x512xf32, #tpu.memory_space<vmem>>, vector<16xf32>,
      tpu.vector_store %arg7[%swap3A_373, %swap3A_374, %swap3A_375], %broadcast_in_dim3A_13 {strides = array<i32>} : memref<30x2x512xf32, #tpu.memory_space<vmem>>, vector<16xf32>,
      %swap3A_377 = arith.constant 1 : i32
      %swap3A_378 = arith.index_cast %scan3A_66 : i32 to index
      %swap3A_379 = arith.index_cast %swap3A_377 : i32 to index
      %swap3A_380 = arith.constant 480 : index
      %swap3A_381 = tpu.vector_load %arg7[%swap3A_378, %swap3A_379, %swap3A_380] {strides = array<i32>} : memref<30x2x512xf32, #tpu.memory_space<vmem>>, vector<16xf32>,
      tpu.vector_store %arg7[%swap3A_378, %swap3A_379, %swap3A_380], %broadcast_in_dim3A_13 {strides = array<i32>} : memref<30x2x512xf32, #tpu.memory_space<vmem>>, vector<16xf32>,
      %swap3A_382 = arith.constant 1 : i32
      %swap3A_383 = arith.index_cast %scan3A_66 : i32 to index
      %swap3A_384 = arith.index_cast %swap3A_382 : i32 to index
      %swap3A_385 = arith.constant 496 : index
      %swap3A_386 = tpu.vector_load %arg7[%swap3A_383, %swap3A_384, %swap3A_385] {strides = array<i32>} : memref<30x2x512xf32, #tpu.memory_space<vmem>>, vector<16xf32>,
      tpu.vector_store %arg7[%swap3A_383, %swap3A_384, %swap3A_385], %broadcast_in_dim3A_13 {strides = array<i32>} : memref<30x2x512xf32, #tpu.memory_space<vmem>>, vector<16xf32>,
      %scan3A_387 = arith.constant 0 : i32
      scf.yield %scan3A_387 : i32
    }
    %scan3A_21 = arith.constant 30 : i32
    %scan3A_22 = arith.constant 0 : i32
    %scan3A_23 = arith.constant 0 : i32
    %scan3A_24 = arith.constant 30 : i32
    %scan3A_25 = arith.addi %scan3A_23, %scan3A_24 : i32
    %scan3A_26 = arith.constant 1 : i32
    %scan3A_27 = scf.for %scan3A_66 = %scan3A_23 to %scan3A_25 step %scan3A_26 iter_args(%scan3A_67 = %scan3A_22) -> (i32)  : i32 {
      %swap3A = arith.constant 0 : i32
      %swap3A_68 = arith.index_cast %scan3A_66 : i32 to index
      %swap3A_69 = arith.index_cast %swap3A : i32 to index
      %swap3A_70 = arith.constant 0 : index
      %swap3A_71 = tpu.vector_load %arg8[%swap3A_68, %swap3A_69, %swap3A_70] {strides = array<i32>} : memref<30x2x512xf32, #tpu.memory_space<vmem>>, vector<16xf32>,
      tpu.vector_store %arg8[%swap3A_68, %swap3A_69, %swap3A_70], %broadcast_in_dim3A_13 {strides = array<i32>} : memref<30x2x512xf32, #tpu.memory_space<vmem>>, vector<16xf32>,
      %swap3A_72 = arith.constant 0 : i32
      %swap3A_73 = arith.index_cast %scan3A_66 : i32 to index
      %swap3A_74 = arith.index_cast %swap3A_72 : i32 to index
      %swap3A_75 = arith.constant 16 : index
      %swap3A_76 = tpu.vector_load %arg8[%swap3A_73, %swap3A_74, %swap3A_75] {strides = array<i32>} : memref<30x2x512xf32, #tpu.memory_space<vmem>>, vector<16xf32>,
      tpu.vector_store %arg8[%swap3A_73, %swap3A_74, %swap3A_75], %broadcast_in_dim3A_13 {strides = array<i32>} : memref<30x2x512xf32, #tpu.memory_space<vmem>>, vector<16xf32>,
      %swap3A_77 = arith.constant 0 : i32
      %swap3A_78 = arith.index_cast %scan3A_66 : i32 to index
      %swap3A_79 = arith.index_cast %swap3A_77 : i32 to index
      %swap3A_80 = arith.constant 32 : index
      %swap3A_81 = tpu.vector_load %arg8[%swap3A_78, %swap3A_79, %swap3A_80] {strides = array<i32>} : memref<30x2x512xf32, #tpu.memory_space<vmem>>, vector<16xf32>,
      tpu.vector_store %arg8[%swap3A_78, %swap3A_79, %swap3A_80], %broadcast_in_dim3A_13 {strides = array<i32>} : memref<30x2x512xf32, #tpu.memory_space<vmem>>, vector<16xf32>,
      %swap3A_82 = arith.constant 0 : i32
      %swap3A_83 = arith.index_cast %scan3A_66 : i32 to index
      %swap3A_84 = arith.index_cast %swap3A_82 : i32 to index
      %swap3A_85 = arith.constant 48 : index
      %swap3A_86 = tpu.vector_load %arg8[%swap3A_83, %swap3A_84, %swap3A_85] {strides = array<i32>} : memref<30x2x512xf32, #tpu.memory_space<vmem>>, vector<16xf32>,
      tpu.vector_store %arg8[%swap3A_83, %swap3A_84, %swap3A_85], %broadcast_in_dim3A_13 {strides = array<i32>} : memref<30x2x512xf32, #tpu.memory_space<vmem>>, vector<16xf32>,
      %swap3A_87 = arith.constant 0 : i32
      %swap3A_88 = arith.index_cast %scan3A_66 : i32 to index
      %swap3A_89 = arith.index_cast %swap3A_87 : i32 to index
      %swap3A_90 = arith.constant 64 : index
      %swap3A_91 = tpu.vector_load %arg8[%swap3A_88, %swap3A_89, %swap3A_90] {strides = array<i32>} : memref<30x2x512xf32, #tpu.memory_space<vmem>>, vector<16xf32>,
      tpu.vector_store %arg8[%swap3A_88, %swap3A_89, %swap3A_90], %broadcast_in_dim3A_13 {strides = array<i32>} : memref<30x2x512xf32, #tpu.memory_space<vmem>>, vector<16xf32>,
      %swap3A_92 = arith.constant 0 : i32
      %swap3A_93 = arith.index_cast %scan3A_66 : i32 to index
      %swap3A_94 = arith.index_cast %swap3A_92 : i32 to index
      %swap3A_95 = arith.constant 80 : index
      %swap3A_96 = tpu.vector_load %arg8[%swap3A_93, %swap3A_94, %swap3A_95] {strides = array<i32>} : memref<30x2x512xf32, #tpu.memory_space<vmem>>, vector<16xf32>,
      tpu.vector_store %arg8[%swap3A_93, %swap3A_94, %swap3A_95], %broadcast_in_dim3A_13 {strides = array<i32>} : memref<30x2x512xf32, #tpu.memory_space<vmem>>, vector<16xf32>,
      %swap3A_97 = arith.constant 0 : i32
      %swap3A_98 = arith.index_cast %scan3A_66 : i32 to index
      %swap3A_99 = arith.index_cast %swap3A_97 : i32 to index
      %swap3A_100 = arith.constant 96 : index
      %swap3A_101 = tpu.vector_load %arg8[%swap3A_98, %swap3A_99, %swap3A_100] {strides = array<i32>} : memref<30x2x512xf32, #tpu.memory_space<vmem>>, vector<16xf32>,
      tpu.vector_store %arg8[%swap3A_98, %swap3A_99, %swap3A_100], %broadcast_in_dim3A_13 {strides = array<i32>} : memref<30x2x512xf32, #tpu.memory_space<vmem>>, vector<16xf32>,
      %swap3A_102 = arith.constant 0 : i32
      %swap3A_103 = arith.index_cast %scan3A_66 : i32 to index
      %swap3A_104 = arith.index_cast %swap3A_102 : i32 to index
      %swap3A_105 = arith.constant 112 : index
      %swap3A_106 = tpu.vector_load %arg8[%swap3A_103, %swap3A_104, %swap3A_105] {strides = array<i32>} : memref<30x2x512xf32, #tpu.memory_space<vmem>>, vector<16xf32>,
      tpu.vector_store %arg8[%swap3A_103, %swap3A_104, %swap3A_105], %broadcast_in_dim3A_13 {strides = array<i32>} : memref<30x2x512xf32, #tpu.memory_space<vmem>>, vector<16xf32>,
      %swap3A_107 = arith.constant 0 : i32
      %swap3A_108 = arith.index_cast %scan3A_66 : i32 to index
      %swap3A_109 = arith.index_cast %swap3A_107 : i32 to index
      %swap3A_110 = arith.constant 128 : index
      %swap3A_111 = tpu.vector_load %arg8[%swap3A_108, %swap3A_109, %swap3A_110] {strides = array<i32>} : memref<30x2x512xf32, #tpu.memory_space<vmem>>, vector<16xf32>,
      tpu.vector_store %arg8[%swap3A_108, %swap3A_109, %swap3A_110], %broadcast_in_dim3A_13 {strides = array<i32>} : memref<30x2x512xf32, #tpu.memory_space<vmem>>, vector<16xf32>,
      %swap3A_112 = arith.constant 0 : i32
      %swap3A_113 = arith.index_cast %scan3A_66 : i32 to index
      %swap3A_114 = arith.index_cast %swap3A_112 : i32 to index
      %swap3A_115 = arith.constant 144 : index
      %swap3A_116 = tpu.vector_load %arg8[%swap3A_113, %swap3A_114, %swap3A_115] {strides = array<i32>} : memref<30x2x512xf32, #tpu.memory_space<vmem>>, vector<16xf32>,
      tpu.vector_store %arg8[%swap3A_113, %swap3A_114, %swap3A_115], %broadcast_in_dim3A_13 {strides = array<i32>} : memref<30x2x512xf32, #tpu.memory_space<vmem>>, vector<16xf32>,
      %swap3A_117 = arith.constant 0 : i32
      %swap3A_118 = arith.index_cast %scan3A_66 : i32 to index
      %swap3A_119 = arith.index_cast %swap3A_117 : i32 to index
      %swap3A_120 = arith.constant 160 : index
      %swap3A_121 = tpu.vector_load %arg8[%swap3A_118, %swap3A_119, %swap3A_120] {strides = array<i32>} : memref<30x2x512xf32, #tpu.memory_space<vmem>>, vector<16xf32>,
      tpu.vector_store %arg8[%swap3A_118, %swap3A_119, %swap3A_120], %broadcast_in_dim3A_13 {strides = array<i32>} : memref<30x2x512xf32, #tpu.memory_space<vmem>>, vector<16xf32>,
      %swap3A_122 = arith.constant 0 : i32
      %swap3A_123 = arith.index_cast %scan3A_66 : i32 to index
      %swap3A_124 = arith.index_cast %swap3A_122 : i32 to index
      %swap3A_125 = arith.constant 176 : index
      %swap3A_126 = tpu.vector_load %arg8[%swap3A_123, %swap3A_124, %swap3A_125] {strides = array<i32>} : memref<30x2x512xf32, #tpu.memory_space<vmem>>, vector<16xf32>,
      tpu.vector_store %arg8[%swap3A_123, %swap3A_124, %swap3A_125], %broadcast_in_dim3A_13 {strides = array<i32>} : memref<30x2x512xf32, #tpu.memory_space<vmem>>, vector<16xf32>,
      %swap3A_127 = arith.constant 0 : i32
      %swap3A_128 = arith.index_cast %scan3A_66 : i32 to index
      %swap3A_129 = arith.index_cast %swap3A_127 : i32 to index
      %swap3A_130 = arith.constant 192 : index
      %swap3A_131 = tpu.vector_load %arg8[%swap3A_128, %swap3A_129, %swap3A_130] {strides = array<i32>} : memref<30x2x512xf32, #tpu.memory_space<vmem>>, vector<16xf32>,
      tpu.vector_store %arg8[%swap3A_128, %swap3A_129, %swap3A_130], %broadcast_in_dim3A_13 {strides = array<i32>} : memref<30x2x512xf32, #tpu.memory_space<vmem>>, vector<16xf32>,
      %swap3A_132 = arith.constant 0 : i32
      %swap3A_133 = arith.index_cast %scan3A_66 : i32 to index
      %swap3A_134 = arith.index_cast %swap3A_132 : i32 to index
      %swap3A_135 = arith.constant 208 : index
      %swap3A_136 = tpu.vector_load %arg8[%swap3A_133, %swap3A_134, %swap3A_135] {strides = array<i32>} : memref<30x2x512xf32, #tpu.memory_space<vmem>>, vector<16xf32>,
      tpu.vector_store %arg8[%swap3A_133, %swap3A_134, %swap3A_135], %broadcast_in_dim3A_13 {strides = array<i32>} : memref<30x2x512xf32, #tpu.memory_space<vmem>>, vector<16xf32>,
      %swap3A_137 = arith.constant 0 : i32
      %swap3A_138 = arith.index_cast %scan3A_66 : i32 to index
      %swap3A_139 = arith.index_cast %swap3A_137 : i32 to index
      %swap3A_140 = arith.constant 224 : index
      %swap3A_141 = tpu.vector_load %arg8[%swap3A_138, %swap3A_139, %swap3A_140] {strides = array<i32>} : memref<30x2x512xf32, #tpu.memory_space<vmem>>, vector<16xf32>,
      tpu.vector_store %arg8[%swap3A_138, %swap3A_139, %swap3A_140], %broadcast_in_dim3A_13 {strides = array<i32>} : memref<30x2x512xf32, #tpu.memory_space<vmem>>, vector<16xf32>,
      %swap3A_142 = arith.constant 0 : i32
      %swap3A_143 = arith.index_cast %scan3A_66 : i32 to index
      %swap3A_144 = arith.index_cast %swap3A_142 : i32 to index
      %swap3A_145 = arith.constant 240 : index
      %swap3A_146 = tpu.vector_load %arg8[%swap3A_143, %swap3A_144, %swap3A_145] {strides = array<i32>} : memref<30x2x512xf32, #tpu.memory_space<vmem>>, vector<16xf32>,
      tpu.vector_store %arg8[%swap3A_143, %swap3A_144, %swap3A_145], %broadcast_in_dim3A_13 {strides = array<i32>} : memref<30x2x512xf32, #tpu.memory_space<vmem>>, vector<16xf32>,
      %swap3A_147 = arith.constant 0 : i32
      %swap3A_148 = arith.index_cast %scan3A_66 : i32 to index
      %swap3A_149 = arith.index_cast %swap3A_147 : i32 to index
      %swap3A_150 = arith.constant 256 : index
      %swap3A_151 = tpu.vector_load %arg8[%swap3A_148, %swap3A_149, %swap3A_150] {strides = array<i32>} : memref<30x2x512xf32, #tpu.memory_space<vmem>>, vector<16xf32>,
      tpu.vector_store %arg8[%swap3A_148, %swap3A_149, %swap3A_150], %broadcast_in_dim3A_13 {strides = array<i32>} : memref<30x2x512xf32, #tpu.memory_space<vmem>>, vector<16xf32>,
      %swap3A_152 = arith.constant 0 : i32
      %swap3A_153 = arith.index_cast %scan3A_66 : i32 to index
      %swap3A_154 = arith.index_cast %swap3A_152 : i32 to index
      %swap3A_155 = arith.constant 272 : index
      %swap3A_156 = tpu.vector_load %arg8[%swap3A_153, %swap3A_154, %swap3A_155] {strides = array<i32>} : memref<30x2x512xf32, #tpu.memory_space<vmem>>, vector<16xf32>,
      tpu.vector_store %arg8[%swap3A_153, %swap3A_154, %swap3A_155], %broadcast_in_dim3A_13 {strides = array<i32>} : memref<30x2x512xf32, #tpu.memory_space<vmem>>, vector<16xf32>,
      %swap3A_157 = arith.constant 0 : i32
      %swap3A_158 = arith.index_cast %scan3A_66 : i32 to index
      %swap3A_159 = arith.index_cast %swap3A_157 : i32 to index
      %swap3A_160 = arith.constant 288 : index
      %swap3A_161 = tpu.vector_load %arg8[%swap3A_158, %swap3A_159, %swap3A_160] {strides = array<i32>} : memref<30x2x512xf32, #tpu.memory_space<vmem>>, vector<16xf32>,
      tpu.vector_store %arg8[%swap3A_158, %swap3A_159, %swap3A_160], %broadcast_in_dim3A_13 {strides = array<i32>} : memref<30x2x512xf32, #tpu.memory_space<vmem>>, vector<16xf32>,
      %swap3A_162 = arith.constant 0 : i32
      %swap3A_163 = arith.index_cast %scan3A_66 : i32 to index
      %swap3A_164 = arith.index_cast %swap3A_162 : i32 to index
      %swap3A_165 = arith.constant 304 : index
      %swap3A_166 = tpu.vector_load %arg8[%swap3A_163, %swap3A_164, %swap3A_165] {strides = array<i32>} : memref<30x2x512xf32, #tpu.memory_space<vmem>>, vector<16xf32>,
      tpu.vector_store %arg8[%swap3A_163, %swap3A_164, %swap3A_165], %broadcast_in_dim3A_13 {strides = array<i32>} : memref<30x2x512xf32, #tpu.memory_space<vmem>>, vector<16xf32>,
      %swap3A_167 = arith.constant 0 : i32
      %swap3A_168 = arith.index_cast %scan3A_66 : i32 to index
      %swap3A_169 = arith.index_cast %swap3A_167 : i32 to index
      %swap3A_170 = arith.constant 320 : index
      %swap3A_171 = tpu.vector_load %arg8[%swap3A_168, %swap3A_169, %swap3A_170] {strides = array<i32>} : memref<30x2x512xf32, #tpu.memory_space<vmem>>, vector<16xf32>,
      tpu.vector_store %arg8[%swap3A_168, %swap3A_169, %swap3A_170], %broadcast_in_dim3A_13 {strides = array<i32>} : memref<30x2x512xf32, #tpu.memory_space<vmem>>, vector<16xf32>,
      %swap3A_172 = arith.constant 0 : i32
      %swap3A_173 = arith.index_cast %scan3A_66 : i32 to index
      %swap3A_174 = arith.index_cast %swap3A_172 : i32 to index
      %swap3A_175 = arith.constant 336 : index
      %swap3A_176 = tpu.vector_load %arg8[%swap3A_173, %swap3A_174, %swap3A_175] {strides = array<i32>} : memref<30x2x512xf32, #tpu.memory_space<vmem>>, vector<16xf32>,
      tpu.vector_store %arg8[%swap3A_173, %swap3A_174, %swap3A_175], %broadcast_in_dim3A_13 {strides = array<i32>} : memref<30x2x512xf32, #tpu.memory_space<vmem>>, vector<16xf32>,
      %swap3A_177 = arith.constant 0 : i32
      %swap3A_178 = arith.index_cast %scan3A_66 : i32 to index
      %swap3A_179 = arith.index_cast %swap3A_177 : i32 to index
      %swap3A_180 = arith.constant 352 : index
      %swap3A_181 = tpu.vector_load %arg8[%swap3A_178, %swap3A_179, %swap3A_180] {strides = array<i32>} : memref<30x2x512xf32, #tpu.memory_space<vmem>>, vector<16xf32>,
      tpu.vector_store %arg8[%swap3A_178, %swap3A_179, %swap3A_180], %broadcast_in_dim3A_13 {strides = array<i32>} : memref<30x2x512xf32, #tpu.memory_space<vmem>>, vector<16xf32>,
      %swap3A_182 = arith.constant 0 : i32
      %swap3A_183 = arith.index_cast %scan3A_66 : i32 to index
      %swap3A_184 = arith.index_cast %swap3A_182 : i32 to index
      %swap3A_185 = arith.constant 368 : index
      %swap3A_186 = tpu.vector_load %arg8[%swap3A_183, %swap3A_184, %swap3A_185] {strides = array<i32>} : memref<30x2x512xf32, #tpu.memory_space<vmem>>, vector<16xf32>,
      tpu.vector_store %arg8[%swap3A_183, %swap3A_184, %swap3A_185], %broadcast_in_dim3A_13 {strides = array<i32>} : memref<30x2x512xf32, #tpu.memory_space<vmem>>, vector<16xf32>,
      %swap3A_187 = arith.constant 0 : i32
      %swap3A_188 = arith.index_cast %scan3A_66 : i32 to index
      %swap3A_189 = arith.index_cast %swap3A_187 : i32 to index
      %swap3A_190 = arith.constant 384 : index
      %swap3A_191 = tpu.vector_load %arg8[%swap3A_188, %swap3A_189, %swap3A_190] {strides = array<i32>} : memref<30x2x512xf32, #tpu.memory_space<vmem>>, vector<16xf32>,
      tpu.vector_store %arg8[%swap3A_188, %swap3A_189, %swap3A_190], %broadcast_in_dim3A_13 {strides = array<i32>} : memref<30x2x512xf32, #tpu.memory_space<vmem>>, vector<16xf32>,
      %swap3A_192 = arith.constant 0 : i32
      %swap3A_193 = arith.index_cast %scan3A_66 : i32 to index
      %swap3A_194 = arith.index_cast %swap3A_192 : i32 to index
      %swap3A_195 = arith.constant 400 : index
      %swap3A_196 = tpu.vector_load %arg8[%swap3A_193, %swap3A_194, %swap3A_195] {strides = array<i32>} : memref<30x2x512xf32, #tpu.memory_space<vmem>>, vector<16xf32>,
      tpu.vector_store %arg8[%swap3A_193, %swap3A_194, %swap3A_195], %broadcast_in_dim3A_13 {strides = array<i32>} : memref<30x2x512xf32, #tpu.memory_space<vmem>>, vector<16xf32>,
      %swap3A_197 = arith.constant 0 : i32
      %swap3A_198 = arith.index_cast %scan3A_66 : i32 to index
      %swap3A_199 = arith.index_cast %swap3A_197 : i32 to index
      %swap3A_200 = arith.constant 416 : index
      %swap3A_201 = tpu.vector_load %arg8[%swap3A_198, %swap3A_199, %swap3A_200] {strides = array<i32>} : memref<30x2x512xf32, #tpu.memory_space<vmem>>, vector<16xf32>,
      tpu.vector_store %arg8[%swap3A_198, %swap3A_199, %swap3A_200], %broadcast_in_dim3A_13 {strides = array<i32>} : memref<30x2x512xf32, #tpu.memory_space<vmem>>, vector<16xf32>,
      %swap3A_202 = arith.constant 0 : i32
      %swap3A_203 = arith.index_cast %scan3A_66 : i32 to index
      %swap3A_204 = arith.index_cast %swap3A_202 : i32 to index
      %swap3A_205 = arith.constant 432 : index
      %swap3A_206 = tpu.vector_load %arg8[%swap3A_203, %swap3A_204, %swap3A_205] {strides = array<i32>} : memref<30x2x512xf32, #tpu.memory_space<vmem>>, vector<16xf32>,
      tpu.vector_store %arg8[%swap3A_203, %swap3A_204, %swap3A_205], %broadcast_in_dim3A_13 {strides = array<i32>} : memref<30x2x512xf32, #tpu.memory_space<vmem>>, vector<16xf32>,
      %swap3A_207 = arith.constant 0 : i32
      %swap3A_208 = arith.index_cast %scan3A_66 : i32 to index
      %swap3A_209 = arith.index_cast %swap3A_207 : i32 to index
      %swap3A_210 = arith.constant 448 : index
      %swap3A_211 = tpu.vector_load %arg8[%swap3A_208, %swap3A_209, %swap3A_210] {strides = array<i32>} : memref<30x2x512xf32, #tpu.memory_space<vmem>>, vector<16xf32>,
      tpu.vector_store %arg8[%swap3A_208, %swap3A_209, %swap3A_210], %broadcast_in_dim3A_13 {strides = array<i32>} : memref<30x2x512xf32, #tpu.memory_space<vmem>>, vector<16xf32>,
      %swap3A_212 = arith.constant 0 : i32
      %swap3A_213 = arith.index_cast %scan3A_66 : i32 to index
      %swap3A_214 = arith.index_cast %swap3A_212 : i32 to index
      %swap3A_215 = arith.constant 464 : index
      %swap3A_216 = tpu.vector_load %arg8[%swap3A_213, %swap3A_214, %swap3A_215] {strides = array<i32>} : memref<30x2x512xf32, #tpu.memory_space<vmem>>, vector<16xf32>,
      tpu.vector_store %arg8[%swap3A_213, %swap3A_214, %swap3A_215], %broadcast_in_dim3A_13 {strides = array<i32>} : memref<30x2x512xf32, #tpu.memory_space<vmem>>, vector<16xf32>,
      %swap3A_217 = arith.constant 0 : i32
      %swap3A_218 = arith.index_cast %scan3A_66 : i32 to index
      %swap3A_219 = arith.index_cast %swap3A_217 : i32 to index
      %swap3A_220 = arith.constant 480 : index
      %swap3A_221 = tpu.vector_load %arg8[%swap3A_218, %swap3A_219, %swap3A_220] {strides = array<i32>} : memref<30x2x512xf32, #tpu.memory_space<vmem>>, vector<16xf32>,
      tpu.vector_store %arg8[%swap3A_218, %swap3A_219, %swap3A_220], %broadcast_in_dim3A_13 {strides = array<i32>} : memref<30x2x512xf32, #tpu.memory_space<vmem>>, vector<16xf32>,
      %swap3A_222 = arith.constant 0 : i32
      %swap3A_223 = arith.index_cast %scan3A_66 : i32 to index
      %swap3A_224 = arith.index_cast %swap3A_222 : i32 to index
      %swap3A_225 = arith.constant 496 : index
      %swap3A_226 = tpu.vector_load %arg8[%swap3A_223, %swap3A_224, %swap3A_225] {strides = array<i32>} : memref<30x2x512xf32, #tpu.memory_space<vmem>>, vector<16xf32>,
      tpu.vector_store %arg8[%swap3A_223, %swap3A_224, %swap3A_225], %broadcast_in_dim3A_13 {strides = array<i32>} : memref<30x2x512xf32, #tpu.memory_space<vmem>>, vector<16xf32>,
      %swap3A_227 = arith.constant 1 : i32
      %swap3A_228 = arith.index_cast %scan3A_66 : i32 to index
      %swap3A_229 = arith.index_cast %swap3A_227 : i32 to index
      %swap3A_230 = arith.constant 0 : index
      %swap3A_231 = tpu.vector_load %arg8[%swap3A_228, %swap3A_229, %swap3A_230] {strides = array<i32>} : memref<30x2x512xf32, #tpu.memory_space<vmem>>, vector<16xf32>,
      tpu.vector_store %arg8[%swap3A_228, %swap3A_229, %swap3A_230], %broadcast_in_dim3A_13 {strides = array<i32>} : memref<30x2x512xf32, #tpu.memory_space<vmem>>, vector<16xf32>,
      %swap3A_232 = arith.constant 1 : i32
      %swap3A_233 = arith.index_cast %scan3A_66 : i32 to index
      %swap3A_234 = arith.index_cast %swap3A_232 : i32 to index
      %swap3A_235 = arith.constant 16 : index
      %swap3A_236 = tpu.vector_load %arg8[%swap3A_233, %swap3A_234, %swap3A_235] {strides = array<i32>} : memref<30x2x512xf32, #tpu.memory_space<vmem>>, vector<16xf32>,
      tpu.vector_store %arg8[%swap3A_233, %swap3A_234, %swap3A_235], %broadcast_in_dim3A_13 {strides = array<i32>} : memref<30x2x512xf32, #tpu.memory_space<vmem>>, vector<16xf32>,
      %swap3A_237 = arith.constant 1 : i32
      %swap3A_238 = arith.index_cast %scan3A_66 : i32 to index
      %swap3A_239 = arith.index_cast %swap3A_237 : i32 to index
      %swap3A_240 = arith.constant 32 : index
      %swap3A_241 = tpu.vector_load %arg8[%swap3A_238, %swap3A_239, %swap3A_240] {strides = array<i32>} : memref<30x2x512xf32, #tpu.memory_space<vmem>>, vector<16xf32>,
      tpu.vector_store %arg8[%swap3A_238, %swap3A_239, %swap3A_240], %broadcast_in_dim3A_13 {strides = array<i32>} : memref<30x2x512xf32, #tpu.memory_space<vmem>>, vector<16xf32>,
      %swap3A_242 = arith.constant 1 : i32
      %swap3A_243 = arith.index_cast %scan3A_66 : i32 to index
      %swap3A_244 = arith.index_cast %swap3A_242 : i32 to index
      %swap3A_245 = arith.constant 48 : index
      %swap3A_246 = tpu.vector_load %arg8[%swap3A_243, %swap3A_244, %swap3A_245] {strides = array<i32>} : memref<30x2x512xf32, #tpu.memory_space<vmem>>, vector<16xf32>,
      tpu.vector_store %arg8[%swap3A_243, %swap3A_244, %swap3A_245], %broadcast_in_dim3A_13 {strides = array<i32>} : memref<30x2x512xf32, #tpu.memory_space<vmem>>, vector<16xf32>,
      %swap3A_247 = arith.constant 1 : i32
      %swap3A_248 = arith.index_cast %scan3A_66 : i32 to index
      %swap3A_249 = arith.index_cast %swap3A_247 : i32 to index
      %swap3A_250 = arith.constant 64 : index
      %swap3A_251 = tpu.vector_load %arg8[%swap3A_248, %swap3A_249, %swap3A_250] {strides = array<i32>} : memref<30x2x512xf32, #tpu.memory_space<vmem>>, vector<16xf32>,
      tpu.vector_store %arg8[%swap3A_248, %swap3A_249, %swap3A_250], %broadcast_in_dim3A_13 {strides = array<i32>} : memref<30x2x512xf32, #tpu.memory_space<vmem>>, vector<16xf32>,
      %swap3A_252 = arith.constant 1 : i32
      %swap3A_253 = arith.index_cast %scan3A_66 : i32 to index
      %swap3A_254 = arith.index_cast %swap3A_252 : i32 to index
      %swap3A_255 = arith.constant 80 : index
      %swap3A_256 = tpu.vector_load %arg8[%swap3A_253, %swap3A_254, %swap3A_255] {strides = array<i32>} : memref<30x2x512xf32, #tpu.memory_space<vmem>>, vector<16xf32>,
      tpu.vector_store %arg8[%swap3A_253, %swap3A_254, %swap3A_255], %broadcast_in_dim3A_13 {strides = array<i32>} : memref<30x2x512xf32, #tpu.memory_space<vmem>>, vector<16xf32>,
      %swap3A_257 = arith.constant 1 : i32
      %swap3A_258 = arith.index_cast %scan3A_66 : i32 to index
      %swap3A_259 = arith.index_cast %swap3A_257 : i32 to index
      %swap3A_260 = arith.constant 96 : index
      %swap3A_261 = tpu.vector_load %arg8[%swap3A_258, %swap3A_259, %swap3A_260] {strides = array<i32>} : memref<30x2x512xf32, #tpu.memory_space<vmem>>, vector<16xf32>,
      tpu.vector_store %arg8[%swap3A_258, %swap3A_259, %swap3A_260], %broadcast_in_dim3A_13 {strides = array<i32>} : memref<30x2x512xf32, #tpu.memory_space<vmem>>, vector<16xf32>,
      %swap3A_262 = arith.constant 1 : i32
      %swap3A_263 = arith.index_cast %scan3A_66 : i32 to index
      %swap3A_264 = arith.index_cast %swap3A_262 : i32 to index
      %swap3A_265 = arith.constant 112 : index
      %swap3A_266 = tpu.vector_load %arg8[%swap3A_263, %swap3A_264, %swap3A_265] {strides = array<i32>} : memref<30x2x512xf32, #tpu.memory_space<vmem>>, vector<16xf32>,
      tpu.vector_store %arg8[%swap3A_263, %swap3A_264, %swap3A_265], %broadcast_in_dim3A_13 {strides = array<i32>} : memref<30x2x512xf32, #tpu.memory_space<vmem>>, vector<16xf32>,
      %swap3A_267 = arith.constant 1 : i32
      %swap3A_268 = arith.index_cast %scan3A_66 : i32 to index
      %swap3A_269 = arith.index_cast %swap3A_267 : i32 to index
      %swap3A_270 = arith.constant 128 : index
      %swap3A_271 = tpu.vector_load %arg8[%swap3A_268, %swap3A_269, %swap3A_270] {strides = array<i32>} : memref<30x2x512xf32, #tpu.memory_space<vmem>>, vector<16xf32>,
      tpu.vector_store %arg8[%swap3A_268, %swap3A_269, %swap3A_270], %broadcast_in_dim3A_13 {strides = array<i32>} : memref<30x2x512xf32, #tpu.memory_space<vmem>>, vector<16xf32>,
      %swap3A_272 = arith.constant 1 : i32
      %swap3A_273 = arith.index_cast %scan3A_66 : i32 to index
      %swap3A_274 = arith.index_cast %swap3A_272 : i32 to index
      %swap3A_275 = arith.constant 144 : index
      %swap3A_276 = tpu.vector_load %arg8[%swap3A_273, %swap3A_274, %swap3A_275] {strides = array<i32>} : memref<30x2x512xf32, #tpu.memory_space<vmem>>, vector<16xf32>,
      tpu.vector_store %arg8[%swap3A_273, %swap3A_274, %swap3A_275], %broadcast_in_dim3A_13 {strides = array<i32>} : memref<30x2x512xf32, #tpu.memory_space<vmem>>, vector<16xf32>,
      %swap3A_277 = arith.constant 1 : i32
      %swap3A_278 = arith.index_cast %scan3A_66 : i32 to index
      %swap3A_279 = arith.index_cast %swap3A_277 : i32 to index
      %swap3A_280 = arith.constant 160 : index
      %swap3A_281 = tpu.vector_load %arg8[%swap3A_278, %swap3A_279, %swap3A_280] {strides = array<i32>} : memref<30x2x512xf32, #tpu.memory_space<vmem>>, vector<16xf32>,
      tpu.vector_store %arg8[%swap3A_278, %swap3A_279, %swap3A_280], %broadcast_in_dim3A_13 {strides = array<i32>} : memref<30x2x512xf32, #tpu.memory_space<vmem>>, vector<16xf32>,
      %swap3A_282 = arith.constant 1 : i32
      %swap3A_283 = arith.index_cast %scan3A_66 : i32 to index
      %swap3A_284 = arith.index_cast %swap3A_282 : i32 to index
      %swap3A_285 = arith.constant 176 : index
      %swap3A_286 = tpu.vector_load %arg8[%swap3A_283, %swap3A_284, %swap3A_285] {strides = array<i32>} : memref<30x2x512xf32, #tpu.memory_space<vmem>>, vector<16xf32>,
      tpu.vector_store %arg8[%swap3A_283, %swap3A_284, %swap3A_285], %broadcast_in_dim3A_13 {strides = array<i32>} : memref<30x2x512xf32, #tpu.memory_space<vmem>>, vector<16xf32>,
      %swap3A_287 = arith.constant 1 : i32
      %swap3A_288 = arith.index_cast %scan3A_66 : i32 to index
      %swap3A_289 = arith.index_cast %swap3A_287 : i32 to index
      %swap3A_290 = arith.constant 192 : index
      %swap3A_291 = tpu.vector_load %arg8[%swap3A_288, %swap3A_289, %swap3A_290] {strides = array<i32>} : memref<30x2x512xf32, #tpu.memory_space<vmem>>, vector<16xf32>,
      tpu.vector_store %arg8[%swap3A_288, %swap3A_289, %swap3A_290], %broadcast_in_dim3A_13 {strides = array<i32>} : memref<30x2x512xf32, #tpu.memory_space<vmem>>, vector<16xf32>,
      %swap3A_292 = arith.constant 1 : i32
      %swap3A_293 = arith.index_cast %scan3A_66 : i32 to index
      %swap3A_294 = arith.index_cast %swap3A_292 : i32 to index
      %swap3A_295 = arith.constant 208 : index
      %swap3A_296 = tpu.vector_load %arg8[%swap3A_293, %swap3A_294, %swap3A_295] {strides = array<i32>} : memref<30x2x512xf32, #tpu.memory_space<vmem>>, vector<16xf32>,
      tpu.vector_store %arg8[%swap3A_293, %swap3A_294, %swap3A_295], %broadcast_in_dim3A_13 {strides = array<i32>} : memref<30x2x512xf32, #tpu.memory_space<vmem>>, vector<16xf32>,
      %swap3A_297 = arith.constant 1 : i32
      %swap3A_298 = arith.index_cast %scan3A_66 : i32 to index
      %swap3A_299 = arith.index_cast %swap3A_297 : i32 to index
      %swap3A_300 = arith.constant 224 : index
      %swap3A_301 = tpu.vector_load %arg8[%swap3A_298, %swap3A_299, %swap3A_300] {strides = array<i32>} : memref<30x2x512xf32, #tpu.memory_space<vmem>>, vector<16xf32>,
      tpu.vector_store %arg8[%swap3A_298, %swap3A_299, %swap3A_300], %broadcast_in_dim3A_13 {strides = array<i32>} : memref<30x2x512xf32, #tpu.memory_space<vmem>>, vector<16xf32>,
      %swap3A_302 = arith.constant 1 : i32
      %swap3A_303 = arith.index_cast %scan3A_66 : i32 to index
      %swap3A_304 = arith.index_cast %swap3A_302 : i32 to index
      %swap3A_305 = arith.constant 240 : index
      %swap3A_306 = tpu.vector_load %arg8[%swap3A_303, %swap3A_304, %swap3A_305] {strides = array<i32>} : memref<30x2x512xf32, #tpu.memory_space<vmem>>, vector<16xf32>,
      tpu.vector_store %arg8[%swap3A_303, %swap3A_304, %swap3A_305], %broadcast_in_dim3A_13 {strides = array<i32>} : memref<30x2x512xf32, #tpu.memory_space<vmem>>, vector<16xf32>,
      %swap3A_307 = arith.constant 1 : i32
      %swap3A_308 = arith.index_cast %scan3A_66 : i32 to index
      %swap3A_309 = arith.index_cast %swap3A_307 : i32 to index
      %swap3A_310 = arith.constant 256 : index
      %swap3A_311 = tpu.vector_load %arg8[%swap3A_308, %swap3A_309, %swap3A_310] {strides = array<i32>} : memref<30x2x512xf32, #tpu.memory_space<vmem>>, vector<16xf32>,
      tpu.vector_store %arg8[%swap3A_308, %swap3A_309, %swap3A_310], %broadcast_in_dim3A_13 {strides = array<i32>} : memref<30x2x512xf32, #tpu.memory_space<vmem>>, vector<16xf32>,
      %swap3A_312 = arith.constant 1 : i32
      %swap3A_313 = arith.index_cast %scan3A_66 : i32 to index
      %swap3A_314 = arith.index_cast %swap3A_312 : i32 to index
      %swap3A_315 = arith.constant 272 : index
      %swap3A_316 = tpu.vector_load %arg8[%swap3A_313, %swap3A_314, %swap3A_315] {strides = array<i32>} : memref<30x2x512xf32, #tpu.memory_space<vmem>>, vector<16xf32>,
      tpu.vector_store %arg8[%swap3A_313, %swap3A_314, %swap3A_315], %broadcast_in_dim3A_13 {strides = array<i32>} : memref<30x2x512xf32, #tpu.memory_space<vmem>>, vector<16xf32>,
      %swap3A_317 = arith.constant 1 : i32
      %swap3A_318 = arith.index_cast %scan3A_66 : i32 to index
      %swap3A_319 = arith.index_cast %swap3A_317 : i32 to index
      %swap3A_320 = arith.constant 288 : index
      %swap3A_321 = tpu.vector_load %arg8[%swap3A_318, %swap3A_319, %swap3A_320] {strides = array<i32>} : memref<30x2x512xf32, #tpu.memory_space<vmem>>, vector<16xf32>,
      tpu.vector_store %arg8[%swap3A_318, %swap3A_319, %swap3A_320], %broadcast_in_dim3A_13 {strides = array<i32>} : memref<30x2x512xf32, #tpu.memory_space<vmem>>, vector<16xf32>,
      %swap3A_322 = arith.constant 1 : i32
      %swap3A_323 = arith.index_cast %scan3A_66 : i32 to index
      %swap3A_324 = arith.index_cast %swap3A_322 : i32 to index
      %swap3A_325 = arith.constant 304 : index
      %swap3A_326 = tpu.vector_load %arg8[%swap3A_323, %swap3A_324, %swap3A_325] {strides = array<i32>} : memref<30x2x512xf32, #tpu.memory_space<vmem>>, vector<16xf32>,
      tpu.vector_store %arg8[%swap3A_323, %swap3A_324, %swap3A_325], %broadcast_in_dim3A_13 {strides = array<i32>} : memref<30x2x512xf32, #tpu.memory_space<vmem>>, vector<16xf32>,
      %swap3A_327 = arith.constant 1 : i32
      %swap3A_328 = arith.index_cast %scan3A_66 : i32 to index
      %swap3A_329 = arith.index_cast %swap3A_327 : i32 to index
      %swap3A_330 = arith.constant 320 : index
      %swap3A_331 = tpu.vector_load %arg8[%swap3A_328, %swap3A_329, %swap3A_330] {strides = array<i32>} : memref<30x2x512xf32, #tpu.memory_space<vmem>>, vector<16xf32>,
      tpu.vector_store %arg8[%swap3A_328, %swap3A_329, %swap3A_330], %broadcast_in_dim3A_13 {strides = array<i32>} : memref<30x2x512xf32, #tpu.memory_space<vmem>>, vector<16xf32>,
      %swap3A_332 = arith.constant 1 : i32
      %swap3A_333 = arith.index_cast %scan3A_66 : i32 to index
      %swap3A_334 = arith.index_cast %swap3A_332 : i32 to index
      %swap3A_335 = arith.constant 336 : index
      %swap3A_336 = tpu.vector_load %arg8[%swap3A_333, %swap3A_334, %swap3A_335] {strides = array<i32>} : memref<30x2x512xf32, #tpu.memory_space<vmem>>, vector<16xf32>,
      tpu.vector_store %arg8[%swap3A_333, %swap3A_334, %swap3A_335], %broadcast_in_dim3A_13 {strides = array<i32>} : memref<30x2x512xf32, #tpu.memory_space<vmem>>, vector<16xf32>,
      %swap3A_337 = arith.constant 1 : i32
      %swap3A_338 = arith.index_cast %scan3A_66 : i32 to index
      %swap3A_339 = arith.index_cast %swap3A_337 : i32 to index
      %swap3A_340 = arith.constant 352 : index
      %swap3A_341 = tpu.vector_load %arg8[%swap3A_338, %swap3A_339, %swap3A_340] {strides = array<i32>} : memref<30x2x512xf32, #tpu.memory_space<vmem>>, vector<16xf32>,
      tpu.vector_store %arg8[%swap3A_338, %swap3A_339, %swap3A_340], %broadcast_in_dim3A_13 {strides = array<i32>} : memref<30x2x512xf32, #tpu.memory_space<vmem>>, vector<16xf32>,
      %swap3A_342 = arith.constant 1 : i32
      %swap3A_343 = arith.index_cast %scan3A_66 : i32 to index
      %swap3A_344 = arith.index_cast %swap3A_342 : i32 to index
      %swap3A_345 = arith.constant 368 : index
      %swap3A_346 = tpu.vector_load %arg8[%swap3A_343, %swap3A_344, %swap3A_345] {strides = array<i32>} : memref<30x2x512xf32, #tpu.memory_space<vmem>>, vector<16xf32>,
      tpu.vector_store %arg8[%swap3A_343, %swap3A_344, %swap3A_345], %broadcast_in_dim3A_13 {strides = array<i32>} : memref<30x2x512xf32, #tpu.memory_space<vmem>>, vector<16xf32>,
      %swap3A_347 = arith.constant 1 : i32
      %swap3A_348 = arith.index_cast %scan3A_66 : i32 to index
      %swap3A_349 = arith.index_cast %swap3A_347 : i32 to index
      %swap3A_350 = arith.constant 384 : index
      %swap3A_351 = tpu.vector_load %arg8[%swap3A_348, %swap3A_349, %swap3A_350] {strides = array<i32>} : memref<30x2x512xf32, #tpu.memory_space<vmem>>, vector<16xf32>,
      tpu.vector_store %arg8[%swap3A_348, %swap3A_349, %swap3A_350], %broadcast_in_dim3A_13 {strides = array<i32>} : memref<30x2x512xf32, #tpu.memory_space<vmem>>, vector<16xf32>,
      %swap3A_352 = arith.constant 1 : i32
      %swap3A_353 = arith.index_cast %scan3A_66 : i32 to index
      %swap3A_354 = arith.index_cast %swap3A_352 : i32 to index
      %swap3A_355 = arith.constant 400 : index
      %swap3A_356 = tpu.vector_load %arg8[%swap3A_353, %swap3A_354, %swap3A_355] {strides = array<i32>} : memref<30x2x512xf32, #tpu.memory_space<vmem>>, vector<16xf32>,
      tpu.vector_store %arg8[%swap3A_353, %swap3A_354, %swap3A_355], %broadcast_in_dim3A_13 {strides = array<i32>} : memref<30x2x512xf32, #tpu.memory_space<vmem>>, vector<16xf32>,
      %swap3A_357 = arith.constant 1 : i32
      %swap3A_358 = arith.index_cast %scan3A_66 : i32 to index
      %swap3A_359 = arith.index_cast %swap3A_357 : i32 to index
      %swap3A_360 = arith.constant 416 : index
      %swap3A_361 = tpu.vector_load %arg8[%swap3A_358, %swap3A_359, %swap3A_360] {strides = array<i32>} : memref<30x2x512xf32, #tpu.memory_space<vmem>>, vector<16xf32>,
      tpu.vector_store %arg8[%swap3A_358, %swap3A_359, %swap3A_360], %broadcast_in_dim3A_13 {strides = array<i32>} : memref<30x2x512xf32, #tpu.memory_space<vmem>>, vector<16xf32>,
      %swap3A_362 = arith.constant 1 : i32
      %swap3A_363 = arith.index_cast %scan3A_66 : i32 to index
      %swap3A_364 = arith.index_cast %swap3A_362 : i32 to index
      %swap3A_365 = arith.constant 432 : index
      %swap3A_366 = tpu.vector_load %arg8[%swap3A_363, %swap3A_364, %swap3A_365] {strides = array<i32>} : memref<30x2x512xf32, #tpu.memory_space<vmem>>, vector<16xf32>,
      tpu.vector_store %arg8[%swap3A_363, %swap3A_364, %swap3A_365], %broadcast_in_dim3A_13 {strides = array<i32>} : memref<30x2x512xf32, #tpu.memory_space<vmem>>, vector<16xf32>,
      %swap3A_367 = arith.constant 1 : i32
      %swap3A_368 = arith.index_cast %scan3A_66 : i32 to index
      %swap3A_369 = arith.index_cast %swap3A_367 : i32 to index
      %swap3A_370 = arith.constant 448 : index
      %swap3A_371 = tpu.vector_load %arg8[%swap3A_368, %swap3A_369, %swap3A_370] {strides = array<i32>} : memref<30x2x512xf32, #tpu.memory_space<vmem>>, vector<16xf32>,
      tpu.vector_store %arg8[%swap3A_368, %swap3A_369, %swap3A_370], %broadcast_in_dim3A_13 {strides = array<i32>} : memref<30x2x512xf32, #tpu.memory_space<vmem>>, vector<16xf32>,
      %swap3A_372 = arith.constant 1 : i32
      %swap3A_373 = arith.index_cast %scan3A_66 : i32 to index
      %swap3A_374 = arith.index_cast %swap3A_372 : i32 to index
      %swap3A_375 = arith.constant 464 : index
      %swap3A_376 = tpu.vector_load %arg8[%swap3A_373, %swap3A_374, %swap3A_375] {strides = array<i32>} : memref<30x2x512xf32, #tpu.memory_space<vmem>>, vector<16xf32>,
      tpu.vector_store %arg8[%swap3A_373, %swap3A_374, %swap3A_375], %broadcast_in_dim3A_13 {strides = array<i32>} : memref<30x2x512xf32, #tpu.memory_space<vmem>>, vector<16xf32>,
      %swap3A_377 = arith.constant 1 : i32
      %swap3A_378 = arith.index_cast %scan3A_66 : i32 to index
      %swap3A_379 = arith.index_cast %swap3A_377 : i32 to index
      %swap3A_380 = arith.constant 480 : index
      %swap3A_381 = tpu.vector_load %arg8[%swap3A_378, %swap3A_379, %swap3A_380] {strides = array<i32>} : memref<30x2x512xf32, #tpu.memory_space<vmem>>, vector<16xf32>,
      tpu.vector_store %arg8[%swap3A_378, %swap3A_379, %swap3A_380], %broadcast_in_dim3A_13 {strides = array<i32>} : memref<30x2x512xf32, #tpu.memory_space<vmem>>, vector<16xf32>,
      %swap3A_382 = arith.constant 1 : i32
      %swap3A_383 = arith.index_cast %scan3A_66 : i32 to index
      %swap3A_384 = arith.index_cast %swap3A_382 : i32 to index
      %swap3A_385 = arith.constant 496 : index
      %swap3A_386 = tpu.vector_load %arg8[%swap3A_383, %swap3A_384, %swap3A_385] {strides = array<i32>} : memref<30x2x512xf32, #tpu.memory_space<vmem>>, vector<16xf32>,
      tpu.vector_store %arg8[%swap3A_383, %swap3A_384, %swap3A_385], %broadcast_in_dim3A_13 {strides = array<i32>} : memref<30x2x512xf32, #tpu.memory_space<vmem>>, vector<16xf32>,
      %scan3A_387 = arith.constant 0 : i32
      scf.yield %scan3A_387 : i32
    }
    %scan3A_28 = arith.constant 30 : i32
    %mul3A_29 = arith.constant 80 : i32
    %mul3A_30 = arith.muli %add3A, %mul3A_29 : i32
    %add3A_31 = arith.constant 0 : i32
    %add3A_32 = arith.addi %mul3A_30, %add3A_31 : i32
    %mul3A_33 = arith.constant 512 : i32
    %mul3A_34 = arith.muli %add3A_32, %mul3A_33 : i32
    %dma_start3A = tpu.memref_slice %arg2[%mul3A_34] : memref<1310720xf32, #tpu.memory_space<hbm>> -> memref<1024xf32, #tpu.memory_space<hbm>>
    %dma_start3A_35 = tpu.memref_slice %arg2[%mul3A_34] : memref<1310720xf32, #tpu.memory_space<hbm>> -> memref<1024xf32, #tpu.memory_space<hbm>>
    tpu.enqueue_dma source(%dma_start3A_35 : memref<1024xf32, #tpu.memory_space<hbm>>) target(%arg5 : memref<1024xf32, #tpu.memory_space<vmem>>) target_semaphore(%arg12 : memref<!tpu.dma_semaphore, #tpu.memory_space<semaphore_mem>>)
    %mul3A_36 = arith.constant 80 : i32
    %mul3A_37 = arith.muli %add3A, %mul3A_36 : i32
    %add3A_38 = arith.constant 2 : i32
    %add3A_39 = arith.addi %mul3A_37, %add3A_38 : i32
    %mul3A_40 = arith.constant 512 : i32
    %mul3A_41 = arith.muli %add3A_39, %mul3A_40 : i32
    %dma_start3A_42 = tpu.memref_slice %arg2[%mul3A_41] : memref<1310720xf32, #tpu.memory_space<hbm>> -> memref<1024xf32, #tpu.memory_space<hbm>>
    %dma_start3A_43 = tpu.memref_slice %arg2[%mul3A_41] : memref<1310720xf32, #tpu.memory_space<hbm>> -> memref<1024xf32, #tpu.memory_space<hbm>>
    tpu.enqueue_dma source(%dma_start3A_43 : memref<1024xf32, #tpu.memory_space<hbm>>) target(%arg6 : memref<1024xf32, #tpu.memory_space<vmem>>) target_semaphore(%arg13 : memref<!tpu.dma_semaphore, #tpu.memory_space<semaphore_mem>>)
    %scan3A_44 = arith.constant 0 : i32
    %scan3A_45 = arith.constant 0 : i32
    %scan3A_46 = arith.constant 20 : i32
    %scan3A_47 = arith.addi %scan3A_45, %scan3A_46 : i32
    %scan3A_48 = arith.constant 1 : i32
    %scan3A_49 = scf.for %scan3A_66 = %scan3A_45 to %scan3A_47 step %scan3A_48 iter_args(%scan3A_67 = %scan3A_44) -> (i32)  : i32 {
      %mul3A_68 = arith.constant 2 : i32
      %mul3A_69 = arith.muli %scan3A_66, %mul3A_68 : i32
      %add3A_70 = arith.constant 0 : i32
      %add3A_71 = arith.addi %mul3A_69, %add3A_70 : i32
      %dma_wait3A_72 = arith.constant 0 : i32
      %dma_wait3A_73 = tpu.memref_slice %arg2[%dma_wait3A_72] : memref<1310720xf32, #tpu.memory_space<hbm>> -> memref<1024xf32, #tpu.memory_space<hbm>>
      %dma_wait3A_74 = arith.constant 0 : i32
      %dma_wait3A_75 = tpu.memref_slice %arg2[%dma_wait3A_74] : memref<1310720xf32, #tpu.memory_space<hbm>> -> memref<1024xf32, #tpu.memory_space<hbm>>
      tpu.wait_dma2 semaphore(%arg12 : memref<!tpu.dma_semaphore, #tpu.memory_space<semaphore_mem>>) src(%dma_wait3A_75 : memref<1024xf32, #tpu.memory_space<hbm>>) dst(%arg5 : memref<1024xf32, #tpu.memory_space<vmem>>)
      %ge3A = arith.constant 1 : i32
      %ge3A_76 = arith.cmpi sge, %scan3A_66, %ge3A : i32
      %convert_element_type3A = arith.extui %ge3A_76 : i1 to i32
      %cond3A = arith.constant 0 : i32
      %cond3A_77 = arith.cmpi ne, %convert_element_type3A, %cond3A : i32
      scf.if %cond3A_77 {
        %dma_wait3A_137 = arith.constant 0 : i32
        %dma_wait3A_138 = arith.constant 0 : i32
        %dma_wait3A_139 = arith.constant 0 : i32
        %dma_wait3A_140 = tpu.memref_slice %arg4[%dma_wait3A_137, %dma_wait3A_138, %dma_wait3A_139] : memref<30x2560x512xf32, #tpu.memory_space<hbm>> -> memref<30x2x512xf32, #tpu.memory_space<hbm>>
        %dma_wait3A_141 = arith.constant 0 : i32
        %dma_wait3A_142 = arith.constant 0 : i32
        %dma_wait3A_143 = arith.constant 0 : i32
        %dma_wait3A_144 = tpu.memref_slice %arg4[%dma_wait3A_141, %dma_wait3A_142, %dma_wait3A_143] : memref<30x2560x512xf32, #tpu.memory_space<hbm>> -> memref<30x2x512xf32, #tpu.memory_space<hbm>>
        tpu.wait_dma2 semaphore(%arg14 : memref<!tpu.dma_semaphore, #tpu.memory_space<semaphore_mem>>) src(%arg7 : memref<30x2x512xf32, #tpu.memory_space<vmem>>) dst(%dma_wait3A_144 : memref<30x2x512xf32, #tpu.memory_space<hbm>>)
        %scan3A_145 = arith.constant 0 : i32
        %scan3A_146 = arith.constant 0 : i32
        %scan3A_147 = arith.constant 64 : i32
        %scan3A_148 = arith.addi %scan3A_146, %scan3A_147 : i32
        %scan3A_149 = arith.constant 1 : i32
        %scan3A_150 = scf.for %scan3A_152 = %scan3A_146 to %scan3A_148 step %scan3A_149 iter_args(%scan3A_153 = %scan3A_145) -> (i32)  : i32 {
          %mul3A_154 = arith.constant 16 : i32
          %mul3A_155 = arith.muli %scan3A_152, %mul3A_154 : i32
          %get3A_156 = arith.index_cast %mul3A_155 : i32 to index
          %get3A_157 = tpu.vector_load %arg9[%get3A_156] {strides = array<i32>} : memref<1024xi32, #tpu.memory_space<vmem>>, vector<16xi32>,
          %mul3A_158 = arith.constant 16 : i32
          %mul3A_159 = arith.muli %scan3A_152, %mul3A_158 : i32
          %jit3A = arith.constant 512 : i32
          %div3A_160 = arith.divsi %mul3A_159, %jit3A : i32
          %sign3A = arith.constant 0 : i32
          %sign3A_161 = arith.cmpi sgt, %mul3A_159, %sign3A : i32
          %sign3A_162 = arith.extui %sign3A_161 : i1 to i32
          %sign3A_163 = arith.constant 0 : i32
          %sign3A_164 = arith.cmpi slt, %mul3A_159, %sign3A_163 : i32
          %sign3A_165 = arith.extui %sign3A_164 : i1 to i32
          %sign3A_166 = arith.subi %sign3A_162, %sign3A_165 : i32
          %sign3A_167 = arith.constant 0 : i32
          %sign3A_168 = arith.cmpi sgt, %jit3A, %sign3A_167 : i32
          %sign3A_169 = arith.extui %sign3A_168 : i1 to i32
          %sign3A_170 = arith.constant 0 : i32
          %sign3A_171 = arith.cmpi slt, %jit3A, %sign3A_170 : i32
          %sign3A_172 = arith.extui %sign3A_171 : i1 to i32
          %sign3A_173 = arith.subi %sign3A_169, %sign3A_172 : i32
          %ne3A = arith.cmpi ne, %sign3A_166, %sign3A_173 : i32
          %rem3A = arith.remsi %mul3A_159, %jit3A : i32
          %ne3A_174 = arith.constant 0 : i32
          %ne3A_175 = arith.cmpi ne, %rem3A, %ne3A_174 : i32
          %and3A = arith.andi %ne3A, %ne3A_175 : i1
          %sub3A_176 = arith.constant 1 : i32
          %sub3A_177 = arith.subi %div3A_160, %sub3A_176 : i32
          %select_n3A = arith.select %and3A, %sub3A_177, %div3A_160 : i32
          %broadcast_in_dim3A_178 = vector.broadcast %select_n3A : i32 to vector<16xi32>
          %mul3A_179 = arith.constant 16 : i32
          %mul3A_180 = arith.muli %scan3A_152, %mul3A_179 : i32
          %jit3A_181 = arith.constant 512 : i32
          %eq3A = arith.constant 0 : i32
          %eq3A_182 = arith.cmpi eq, %jit3A_181, %eq3A : i32
          %jit3A_183 = arith.constant 1 : i32
          %select_n3A_184 = arith.select %eq3A_182, %jit3A_183, %jit3A_181 : i32
          %rem3A_185 = arith.remsi %mul3A_180, %select_n3A_184 : i32
          %ne3A_186 = arith.constant 0 : i32
          %ne3A_187 = arith.cmpi ne, %rem3A_185, %ne3A_186 : i32
          %lt3A_188 = arith.constant 0 : i32
          %lt3A_189 = arith.cmpi slt, %rem3A_185, %lt3A_188 : i32
          %lt3A_190 = arith.constant 0 : i32
          %lt3A_191 = arith.cmpi slt, %select_n3A_184, %lt3A_190 : i32
          %ne3A_192 = arith.xori %lt3A_189, %lt3A_191 : i1
          %and3A_193 = arith.andi %ne3A_192, %ne3A_187 : i1
          %add3A_194 = arith.addi %rem3A_185, %select_n3A_184 : i32
          %select_n3A_195 = arith.select %and3A_193, %add3A_194, %rem3A_185 : i32
          %add3A_196 = vector.broadcast %select_n3A_195 : i32 to vector<16xi32>
          %add3A_197 = arith.addi %add3A_196, %iota3A : vector<16xi32>
          tpu.vector_store_idx %arg7[%get3A_157, %broadcast_in_dim3A_178, %add3A_197], %broadcast_in_dim3A_13 : memref<30x2x512xf32, #tpu.memory_space<vmem>>[vector<16xi32>, vector<16xi32>, vector<16xi32>], vector<16xf32>,
          %scan3A_198 = arith.constant 0 : i32
          scf.yield %scan3A_198 : i32
        }
        %scan3A_151 = arith.constant 64 : i32
      } else {
      }
      %scan3A_78 = arith.constant 0 : i32
      %scan3A_79 = arith.constant 0 : i32
      %scan3A_80 = arith.constant 64 : i32
      %scan3A_81 = arith.addi %scan3A_79, %scan3A_80 : i32
      %scan3A_82 = arith.constant 1 : i32
      %scan3A_83 = scf.for %scan3A_137 = %scan3A_79 to %scan3A_81 step %scan3A_82 iter_args(%scan3A_138 = %scan3A_78) -> (i32)  : i32 {
        %mul3A_139 = arith.constant 16 : i32
        %mul3A_140 = arith.muli %scan3A_137, %mul3A_139 : i32
        %get3A_141 = arith.index_cast %mul3A_140 : i32 to index
        %get3A_142 = tpu.vector_load %arg5[%get3A_141] {strides = array<i32>} : memref<1024xf32, #tpu.memory_space<vmem>>, vector<16xf32>,
        %sub3A_143 = arith.subf %get3A_142, %get3A_3 : vector<16xf32>
        %mul3A_144 = arith.mulf %sub3A_143, %div3A_12 : vector<16xf32>
        %sub3A_145 = arith.constant 1.000000e+00 : f32
        %sub3A_146 = vector.broadcast %sub3A_145 : f32 to vector<16xf32>
        %sub3A_147 = arith.subf %sub3A_146, %mul3A_144 : vector<16xf32>
        %mul3A_148 = arith.constant 2.900000e+01 : f32
        %mul3A_149 = vector.broadcast %mul3A_148 : f32 to vector<16xf32>
        %mul3A_150 = arith.mulf %sub3A_147, %mul3A_149 : vector<16xf32>
        %convert_element_type3A_151 = arith.fptosi %mul3A_150 : vector<16xf32> to vector<16xi32>
        %jit3A = arith.constant 0 : i32
        %jit3A_152 = arith.constant 29 : i32
        %max3A = vector.broadcast %jit3A : i32 to vector<16xi32>
        %max3A_153 = arith.maxsi %max3A, %convert_element_type3A_151 : vector<16xi32>
        %min3A = vector.broadcast %jit3A_152 : i32 to vector<16xi32>
        %min3A_154 = arith.minsi %min3A, %max3A_153 : vector<16xi32>
        %mul3A_155 = arith.constant 16 : i32
        %mul3A_156 = arith.muli %scan3A_137, %mul3A_155 : i32
        %swap3A = arith.index_cast %mul3A_156 : i32 to index
        %swap3A_157 = tpu.vector_load %arg9[%swap3A] {strides = array<i32>} : memref<1024xi32, #tpu.memory_space<vmem>>, vector<16xi32>,
        tpu.vector_store %arg9[%swap3A], %min3A_154 {strides = array<i32>} : memref<1024xi32, #tpu.memory_space<vmem>>, vector<16xi32>,
        %mul3A_158 = arith.constant 16 : i32
        %mul3A_159 = arith.muli %scan3A_137, %mul3A_158 : i32
        %jit3A_160 = arith.constant 512 : i32
        %div3A_161 = arith.divsi %mul3A_159, %jit3A_160 : i32
        %sign3A = arith.constant 0 : i32
        %sign3A_162 = arith.cmpi sgt, %mul3A_159, %sign3A : i32
        %sign3A_163 = arith.extui %sign3A_162 : i1 to i32
        %sign3A_164 = arith.constant 0 : i32
        %sign3A_165 = arith.cmpi slt, %mul3A_159, %sign3A_164 : i32
        %sign3A_166 = arith.extui %sign3A_165 : i1 to i32
        %sign3A_167 = arith.subi %sign3A_163, %sign3A_166 : i32
        %sign3A_168 = arith.constant 0 : i32
        %sign3A_169 = arith.cmpi sgt, %jit3A_160, %sign3A_168 : i32
        %sign3A_170 = arith.extui %sign3A_169 : i1 to i32
        %sign3A_171 = arith.constant 0 : i32
        %sign3A_172 = arith.cmpi slt, %jit3A_160, %sign3A_171 : i32
        %sign3A_173 = arith.extui %sign3A_172 : i1 to i32
        %sign3A_174 = arith.subi %sign3A_170, %sign3A_173 : i32
        %ne3A = arith.cmpi ne, %sign3A_167, %sign3A_174 : i32
        %rem3A = arith.remsi %mul3A_159, %jit3A_160 : i32
        %ne3A_175 = arith.constant 0 : i32
        %ne3A_176 = arith.cmpi ne, %rem3A, %ne3A_175 : i32
        %and3A = arith.andi %ne3A, %ne3A_176 : i1
        %sub3A_177 = arith.constant 1 : i32
        %sub3A_178 = arith.subi %div3A_161, %sub3A_177 : i32
        %select_n3A = arith.select %and3A, %sub3A_178, %div3A_161 : i32
        %broadcast_in_dim3A_179 = vector.broadcast %select_n3A : i32 to vector<16xi32>
        %mul3A_180 = arith.constant 16 : i32
        %mul3A_181 = arith.muli %scan3A_137, %mul3A_180 : i32
        %jit3A_182 = arith.constant 512 : i32
        %eq3A = arith.constant 0 : i32
        %eq3A_183 = arith.cmpi eq, %jit3A_182, %eq3A : i32
        %jit3A_184 = arith.constant 1 : i32
        %select_n3A_185 = arith.select %eq3A_183, %jit3A_184, %jit3A_182 : i32
        %rem3A_186 = arith.remsi %mul3A_181, %select_n3A_185 : i32
        %ne3A_187 = arith.constant 0 : i32
        %ne3A_188 = arith.cmpi ne, %rem3A_186, %ne3A_187 : i32
        %lt3A_189 = arith.constant 0 : i32
        %lt3A_190 = arith.cmpi slt, %rem3A_186, %lt3A_189 : i32
        %lt3A_191 = arith.constant 0 : i32
        %lt3A_192 = arith.cmpi slt, %select_n3A_185, %lt3A_191 : i32
        %ne3A_193 = arith.xori %lt3A_190, %lt3A_192 : i1
        %and3A_194 = arith.andi %ne3A_193, %ne3A_188 : i1
        %add3A_195 = arith.addi %rem3A_186, %select_n3A_185 : i32
        %select_n3A_196 = arith.select %and3A_194, %add3A_195, %rem3A_186 : i32
        %add3A_197 = vector.broadcast %select_n3A_196 : i32 to vector<16xi32>
        %add3A_198 = arith.addi %add3A_197, %iota3A : vector<16xi32>
        tpu.vector_store_idx %arg7[%min3A_154, %broadcast_in_dim3A_179, %add3A_198], %broadcast_in_dim3A_15 : memref<30x2x512xf32, #tpu.memory_space<vmem>>[vector<16xi32>, vector<16xi32>, vector<16xi32>], vector<16xf32>,
        %scan3A_199 = arith.constant 0 : i32
        scf.yield %scan3A_199 : i32
      }
      %scan3A_84 = arith.constant 64 : i32
      %mul3A_85 = arith.constant 80 : i32
      %mul3A_86 = arith.muli %add3A, %mul3A_85 : i32
      %mul3A_87 = arith.constant 2 : i32
      %mul3A_88 = arith.muli %add3A_71, %mul3A_87 : i32
      %add3A_89 = arith.addi %mul3A_86, %mul3A_88 : i32
      %dma_start3A_90 = arith.constant 0 : i32
      %dma_start3A_91 = arith.constant 0 : i32
      %dma_start3A_92 = tpu.memref_slice %arg4[%dma_start3A_90, %add3A_89, %dma_start3A_91] : memref<30x2560x512xf32, #tpu.memory_space<hbm>> -> memref<30x2x512xf32, #tpu.memory_space<hbm>>
      %dma_start3A_93 = arith.constant 0 : i32
      %dma_start3A_94 = arith.constant 0 : i32
      %dma_start3A_95 = tpu.memref_slice %arg4[%dma_start3A_93, %add3A_89, %dma_start3A_94] : memref<30x2560x512xf32, #tpu.memory_space<hbm>> -> memref<30x2x512xf32, #tpu.memory_space<hbm>>
      tpu.enqueue_dma source(%arg7 : memref<30x2x512xf32, #tpu.memory_space<vmem>>) target(%dma_start3A_95 : memref<30x2x512xf32, #tpu.memory_space<hbm>>) target_semaphore(%arg14 : memref<!tpu.dma_semaphore, #tpu.memory_space<semaphore_mem>>)
      %lt3A = arith.constant 19 : i32
      %lt3A_96 = arith.cmpi slt, %scan3A_66, %lt3A : i32
      %convert_element_type3A_97 = arith.extui %lt3A_96 : i1 to i32
      %cond3A_98 = arith.constant 0 : i32
      %cond3A_99 = arith.cmpi ne, %convert_element_type3A_97, %cond3A_98 : i32
      scf.if %cond3A_99 {
        %add3A_137 = arith.constant 2 : i32
        %add3A_138 = arith.addi %add3A_71, %add3A_137 : i32
        %mul3A_139 = arith.constant 80 : i32
        %mul3A_140 = arith.muli %add3A, %mul3A_139 : i32
        %mul3A_141 = arith.constant 2 : i32
        %mul3A_142 = arith.muli %add3A_138, %mul3A_141 : i32
        %add3A_143 = arith.addi %mul3A_140, %mul3A_142 : i32
        %mul3A_144 = arith.constant 512 : i32
        %mul3A_145 = arith.muli %add3A_143, %mul3A_144 : i32
        %dma_start3A_146 = tpu.memref_slice %arg2[%mul3A_145] : memref<1310720xf32, #tpu.memory_space<hbm>> -> memref<1024xf32, #tpu.memory_space<hbm>>
        %dma_start3A_147 = tpu.memref_slice %arg2[%mul3A_145] : memref<1310720xf32, #tpu.memory_space<hbm>> -> memref<1024xf32, #tpu.memory_space<hbm>>
        tpu.enqueue_dma source(%dma_start3A_147 : memref<1024xf32, #tpu.memory_space<hbm>>) target(%arg5 : memref<1024xf32, #tpu.memory_space<vmem>>) target_semaphore(%arg12 : memref<!tpu.dma_semaphore, #tpu.memory_space<semaphore_mem>>)
      } else {
      }
      %mul3A_100 = arith.constant 2 : i32
      %mul3A_101 = arith.muli %scan3A_66, %mul3A_100 : i32
      %add3A_102 = arith.constant 1 : i32
      %add3A_103 = arith.addi %mul3A_101, %add3A_102 : i32
      %dma_wait3A_104 = arith.constant 0 : i32
      %dma_wait3A_105 = tpu.memref_slice %arg2[%dma_wait3A_104] : memref<1310720xf32, #tpu.memory_space<hbm>> -> memref<1024xf32, #tpu.memory_space<hbm>>
      %dma_wait3A_106 = arith.constant 0 : i32
      %dma_wait3A_107 = tpu.memref_slice %arg2[%dma_wait3A_106] : memref<1310720xf32, #tpu.memory_space<hbm>> -> memref<1024xf32, #tpu.memory_space<hbm>>
      tpu.wait_dma2 semaphore(%arg13 : memref<!tpu.dma_semaphore, #tpu.memory_space<semaphore_mem>>) src(%dma_wait3A_107 : memref<1024xf32, #tpu.memory_space<hbm>>) dst(%arg6 : memref<1024xf32, #tpu.memory_space<vmem>>)
      %ge3A_108 = arith.constant 1 : i32
      %ge3A_109 = arith.cmpi sge, %scan3A_66, %ge3A_108 : i32
      %convert_element_type3A_110 = arith.extui %ge3A_109 : i1 to i32
      %cond3A_111 = arith.constant 0 : i32
      %cond3A_112 = arith.cmpi ne, %convert_element_type3A_110, %cond3A_111 : i32
      scf.if %cond3A_112 {
        %dma_wait3A_137 = arith.constant 0 : i32
        %dma_wait3A_138 = arith.constant 0 : i32
        %dma_wait3A_139 = arith.constant 0 : i32
        %dma_wait3A_140 = tpu.memref_slice %arg4[%dma_wait3A_137, %dma_wait3A_138, %dma_wait3A_139] : memref<30x2560x512xf32, #tpu.memory_space<hbm>> -> memref<30x2x512xf32, #tpu.memory_space<hbm>>
        %dma_wait3A_141 = arith.constant 0 : i32
        %dma_wait3A_142 = arith.constant 0 : i32
        %dma_wait3A_143 = arith.constant 0 : i32
        %dma_wait3A_144 = tpu.memref_slice %arg4[%dma_wait3A_141, %dma_wait3A_142, %dma_wait3A_143] : memref<30x2560x512xf32, #tpu.memory_space<hbm>> -> memref<30x2x512xf32, #tpu.memory_space<hbm>>
        tpu.wait_dma2 semaphore(%arg15 : memref<!tpu.dma_semaphore, #tpu.memory_space<semaphore_mem>>) src(%arg8 : memref<30x2x512xf32, #tpu.memory_space<vmem>>) dst(%dma_wait3A_144 : memref<30x2x512xf32, #tpu.memory_space<hbm>>)
        %scan3A_145 = arith.constant 0 : i32
        %scan3A_146 = arith.constant 0 : i32
        %scan3A_147 = arith.constant 64 : i32
        %scan3A_148 = arith.addi %scan3A_146, %scan3A_147 : i32
        %scan3A_149 = arith.constant 1 : i32
        %scan3A_150 = scf.for %scan3A_152 = %scan3A_146 to %scan3A_148 step %scan3A_149 iter_args(%scan3A_153 = %scan3A_145) -> (i32)  : i32 {
          %mul3A_154 = arith.constant 16 : i32
          %mul3A_155 = arith.muli %scan3A_152, %mul3A_154 : i32
          %get3A_156 = arith.index_cast %mul3A_155 : i32 to index
          %get3A_157 = tpu.vector_load %arg10[%get3A_156] {strides = array<i32>} : memref<1024xi32, #tpu.memory_space<vmem>>, vector<16xi32>,
          %mul3A_158 = arith.constant 16 : i32
          %mul3A_159 = arith.muli %scan3A_152, %mul3A_158 : i32
          %jit3A = arith.constant 512 : i32
          %div3A_160 = arith.divsi %mul3A_159, %jit3A : i32
          %sign3A = arith.constant 0 : i32
          %sign3A_161 = arith.cmpi sgt, %mul3A_159, %sign3A : i32
          %sign3A_162 = arith.extui %sign3A_161 : i1 to i32
          %sign3A_163 = arith.constant 0 : i32
          %sign3A_164 = arith.cmpi slt, %mul3A_159, %sign3A_163 : i32
          %sign3A_165 = arith.extui %sign3A_164 : i1 to i32
          %sign3A_166 = arith.subi %sign3A_162, %sign3A_165 : i32
          %sign3A_167 = arith.constant 0 : i32
          %sign3A_168 = arith.cmpi sgt, %jit3A, %sign3A_167 : i32
          %sign3A_169 = arith.extui %sign3A_168 : i1 to i32
          %sign3A_170 = arith.constant 0 : i32
          %sign3A_171 = arith.cmpi slt, %jit3A, %sign3A_170 : i32
          %sign3A_172 = arith.extui %sign3A_171 : i1 to i32
          %sign3A_173 = arith.subi %sign3A_169, %sign3A_172 : i32
          %ne3A = arith.cmpi ne, %sign3A_166, %sign3A_173 : i32
          %rem3A = arith.remsi %mul3A_159, %jit3A : i32
          %ne3A_174 = arith.constant 0 : i32
          %ne3A_175 = arith.cmpi ne, %rem3A, %ne3A_174 : i32
          %and3A = arith.andi %ne3A, %ne3A_175 : i1
          %sub3A_176 = arith.constant 1 : i32
          %sub3A_177 = arith.subi %div3A_160, %sub3A_176 : i32
          %select_n3A = arith.select %and3A, %sub3A_177, %div3A_160 : i32
          %broadcast_in_dim3A_178 = vector.broadcast %select_n3A : i32 to vector<16xi32>
          %mul3A_179 = arith.constant 16 : i32
          %mul3A_180 = arith.muli %scan3A_152, %mul3A_179 : i32
          %jit3A_181 = arith.constant 512 : i32
          %eq3A = arith.constant 0 : i32
          %eq3A_182 = arith.cmpi eq, %jit3A_181, %eq3A : i32
          %jit3A_183 = arith.constant 1 : i32
          %select_n3A_184 = arith.select %eq3A_182, %jit3A_183, %jit3A_181 : i32
          %rem3A_185 = arith.remsi %mul3A_180, %select_n3A_184 : i32
          %ne3A_186 = arith.constant 0 : i32
          %ne3A_187 = arith.cmpi ne, %rem3A_185, %ne3A_186 : i32
          %lt3A_188 = arith.constant 0 : i32
          %lt3A_189 = arith.cmpi slt, %rem3A_185, %lt3A_188 : i32
          %lt3A_190 = arith.constant 0 : i32
          %lt3A_191 = arith.cmpi slt, %select_n3A_184, %lt3A_190 : i32
          %ne3A_192 = arith.xori %lt3A_189, %lt3A_191 : i1
          %and3A_193 = arith.andi %ne3A_192, %ne3A_187 : i1
          %add3A_194 = arith.addi %rem3A_185, %select_n3A_184 : i32
          %select_n3A_195 = arith.select %and3A_193, %add3A_194, %rem3A_185 : i32
          %add3A_196 = vector.broadcast %select_n3A_195 : i32 to vector<16xi32>
          %add3A_197 = arith.addi %add3A_196, %iota3A : vector<16xi32>
          tpu.vector_store_idx %arg8[%get3A_157, %broadcast_in_dim3A_178, %add3A_197], %broadcast_in_dim3A_13 : memref<30x2x512xf32, #tpu.memory_space<vmem>>[vector<16xi32>, vector<16xi32>, vector<16xi32>], vector<16xf32>,
          %scan3A_198 = arith.constant 0 : i32
          scf.yield %scan3A_198 : i32
        }
        %scan3A_151 = arith.constant 64 : i32
      } else {
      }
      %scan3A_113 = arith.constant 0 : i32
      %scan3A_114 = arith.constant 0 : i32
      %scan3A_115 = arith.constant 64 : i32
      %scan3A_116 = arith.addi %scan3A_114, %scan3A_115 : i32
      %scan3A_117 = arith.constant 1 : i32
      %scan3A_118 = scf.for %scan3A_137 = %scan3A_114 to %scan3A_116 step %scan3A_117 iter_args(%scan3A_138 = %scan3A_113) -> (i32)  : i32 {
        %mul3A_139 = arith.constant 16 : i32
        %mul3A_140 = arith.muli %scan3A_137, %mul3A_139 : i32
        %get3A_141 = arith.index_cast %mul3A_140 : i32 to index
        %get3A_142 = tpu.vector_load %arg6[%get3A_141] {strides = array<i32>} : memref<1024xf32, #tpu.memory_space<vmem>>, vector<16xf32>,
        %sub3A_143 = arith.subf %get3A_142, %get3A_3 : vector<16xf32>
        %mul3A_144 = arith.mulf %sub3A_143, %div3A_12 : vector<16xf32>
        %sub3A_145 = arith.constant 1.000000e+00 : f32
        %sub3A_146 = vector.broadcast %sub3A_145 : f32 to vector<16xf32>
        %sub3A_147 = arith.subf %sub3A_146, %mul3A_144 : vector<16xf32>
        %mul3A_148 = arith.constant 2.900000e+01 : f32
        %mul3A_149 = vector.broadcast %mul3A_148 : f32 to vector<16xf32>
        %mul3A_150 = arith.mulf %sub3A_147, %mul3A_149 : vector<16xf32>
        %convert_element_type3A_151 = arith.fptosi %mul3A_150 : vector<16xf32> to vector<16xi32>
        %jit3A = arith.constant 0 : i32
        %jit3A_152 = arith.constant 29 : i32
        %max3A = vector.broadcast %jit3A : i32 to vector<16xi32>
        %max3A_153 = arith.maxsi %max3A, %convert_element_type3A_151 : vector<16xi32>
        %min3A = vector.broadcast %jit3A_152 : i32 to vector<16xi32>
        %min3A_154 = arith.minsi %min3A, %max3A_153 : vector<16xi32>
        %mul3A_155 = arith.constant 16 : i32
        %mul3A_156 = arith.muli %scan3A_137, %mul3A_155 : i32
        %swap3A = arith.index_cast %mul3A_156 : i32 to index
        %swap3A_157 = tpu.vector_load %arg10[%swap3A] {strides = array<i32>} : memref<1024xi32, #tpu.memory_space<vmem>>, vector<16xi32>,
        tpu.vector_store %arg10[%swap3A], %min3A_154 {strides = array<i32>} : memref<1024xi32, #tpu.memory_space<vmem>>, vector<16xi32>,
        %mul3A_158 = arith.constant 16 : i32
        %mul3A_159 = arith.muli %scan3A_137, %mul3A_158 : i32
        %jit3A_160 = arith.constant 512 : i32
        %div3A_161 = arith.divsi %mul3A_159, %jit3A_160 : i32
        %sign3A = arith.constant 0 : i32
        %sign3A_162 = arith.cmpi sgt, %mul3A_159, %sign3A : i32
        %sign3A_163 = arith.extui %sign3A_162 : i1 to i32
        %sign3A_164 = arith.constant 0 : i32
        %sign3A_165 = arith.cmpi slt, %mul3A_159, %sign3A_164 : i32
        %sign3A_166 = arith.extui %sign3A_165 : i1 to i32
        %sign3A_167 = arith.subi %sign3A_163, %sign3A_166 : i32
        %sign3A_168 = arith.constant 0 : i32
        %sign3A_169 = arith.cmpi sgt, %jit3A_160, %sign3A_168 : i32
        %sign3A_170 = arith.extui %sign3A_169 : i1 to i32
        %sign3A_171 = arith.constant 0 : i32
        %sign3A_172 = arith.cmpi slt, %jit3A_160, %sign3A_171 : i32
        %sign3A_173 = arith.extui %sign3A_172 : i1 to i32
        %sign3A_174 = arith.subi %sign3A_170, %sign3A_173 : i32
        %ne3A = arith.cmpi ne, %sign3A_167, %sign3A_174 : i32
        %rem3A = arith.remsi %mul3A_159, %jit3A_160 : i32
        %ne3A_175 = arith.constant 0 : i32
        %ne3A_176 = arith.cmpi ne, %rem3A, %ne3A_175 : i32
        %and3A = arith.andi %ne3A, %ne3A_176 : i1
        %sub3A_177 = arith.constant 1 : i32
        %sub3A_178 = arith.subi %div3A_161, %sub3A_177 : i32
        %select_n3A = arith.select %and3A, %sub3A_178, %div3A_161 : i32
        %broadcast_in_dim3A_179 = vector.broadcast %select_n3A : i32 to vector<16xi32>
        %mul3A_180 = arith.constant 16 : i32
        %mul3A_181 = arith.muli %scan3A_137, %mul3A_180 : i32
        %jit3A_182 = arith.constant 512 : i32
        %eq3A = arith.constant 0 : i32
        %eq3A_183 = arith.cmpi eq, %jit3A_182, %eq3A : i32
        %jit3A_184 = arith.constant 1 : i32
        %select_n3A_185 = arith.select %eq3A_183, %jit3A_184, %jit3A_182 : i32
        %rem3A_186 = arith.remsi %mul3A_181, %select_n3A_185 : i32
        %ne3A_187 = arith.constant 0 : i32
        %ne3A_188 = arith.cmpi ne, %rem3A_186, %ne3A_187 : i32
        %lt3A_189 = arith.constant 0 : i32
        %lt3A_190 = arith.cmpi slt, %rem3A_186, %lt3A_189 : i32
        %lt3A_191 = arith.constant 0 : i32
        %lt3A_192 = arith.cmpi slt, %select_n3A_185, %lt3A_191 : i32
        %ne3A_193 = arith.xori %lt3A_190, %lt3A_192 : i1
        %and3A_194 = arith.andi %ne3A_193, %ne3A_188 : i1
        %add3A_195 = arith.addi %rem3A_186, %select_n3A_185 : i32
        %select_n3A_196 = arith.select %and3A_194, %add3A_195, %rem3A_186 : i32
        %add3A_197 = vector.broadcast %select_n3A_196 : i32 to vector<16xi32>
        %add3A_198 = arith.addi %add3A_197, %iota3A : vector<16xi32>
        tpu.vector_store_idx %arg8[%min3A_154, %broadcast_in_dim3A_179, %add3A_198], %broadcast_in_dim3A_15 : memref<30x2x512xf32, #tpu.memory_space<vmem>>[vector<16xi32>, vector<16xi32>, vector<16xi32>], vector<16xf32>,
        %scan3A_199 = arith.constant 0 : i32
        scf.yield %scan3A_199 : i32
      }
      %scan3A_119 = arith.constant 64 : i32
      %mul3A_120 = arith.constant 80 : i32
      %mul3A_121 = arith.muli %add3A, %mul3A_120 : i32
      %mul3A_122 = arith.constant 2 : i32
      %mul3A_123 = arith.muli %add3A_103, %mul3A_122 : i32
      %add3A_124 = arith.addi %mul3A_121, %mul3A_123 : i32
      %dma_start3A_125 = arith.constant 0 : i32
      %dma_start3A_126 = arith.constant 0 : i32
      %dma_start3A_127 = tpu.memref_slice %arg4[%dma_start3A_125, %add3A_124, %dma_start3A_126] : memref<30x2560x512xf32, #tpu.memory_space<hbm>> -> memref<30x2x512xf32, #tpu.memory_space<hbm>>
      %dma_start3A_128 = arith.constant 0 : i32
      %dma_start3A_129 = arith.constant 0 : i32
      %dma_start3A_130 = tpu.memref_slice %arg4[%dma_start3A_128, %add3A_124, %dma_start3A_129] : memref<30x2560x512xf32, #tpu.memory_space<hbm>> -> memref<30x2x512xf32, #tpu.memory_space<hbm>>
      tpu.enqueue_dma source(%arg8 : memref<30x2x512xf32, #tpu.memory_space<vmem>>) target(%dma_start3A_130 : memref<30x2x512xf32, #tpu.memory_space<hbm>>) target_semaphore(%arg15 : memref<!tpu.dma_semaphore, #tpu.memory_space<semaphore_mem>>)
      %lt3A_131 = arith.constant 19 : i32
      %lt3A_132 = arith.cmpi slt, %scan3A_66, %lt3A_131 : i32
      %convert_element_type3A_133 = arith.extui %lt3A_132 : i1 to i32
      %cond3A_134 = arith.constant 0 : i32
      %cond3A_135 = arith.cmpi ne, %convert_element_type3A_133, %cond3A_134 : i32
      scf.if %cond3A_135 {
        %add3A_137 = arith.constant 2 : i32
        %add3A_138 = arith.addi %add3A_103, %add3A_137 : i32
        %mul3A_139 = arith.constant 80 : i32
        %mul3A_140 = arith.muli %add3A, %mul3A_139 : i32
        %mul3A_141 = arith.constant 2 : i32
        %mul3A_142 = arith.muli %add3A_138, %mul3A_141 : i32
        %add3A_143 = arith.addi %mul3A_140, %mul3A_142 : i32
        %mul3A_144 = arith.constant 512 : i32
        %mul3A_145 = arith.muli %add3A_143, %mul3A_144 : i32
        %dma_start3A_146 = tpu.memref_slice %arg2[%mul3A_145] : memref<1310720xf32, #tpu.memory_space<hbm>> -> memref<1024xf32, #tpu.memory_space<hbm>>
        %dma_start3A_147 = tpu.memref_slice %arg2[%mul3A_145] : memref<1310720xf32, #tpu.memory_space<hbm>> -> memref<1024xf32, #tpu.memory_space<hbm>>
        tpu.enqueue_dma source(%dma_start3A_147 : memref<1024xf32, #tpu.memory_space<hbm>>) target(%arg6 : memref<1024xf32, #tpu.memory_space<vmem>>) target_semaphore(%arg13 : memref<!tpu.dma_semaphore, #tpu.memory_space<semaphore_mem>>)
      } else {
      }
      %scan3A_136 = arith.constant 0 : i32
      scf.yield %scan3A_136 : i32
    }
    %scan3A_50 = arith.constant 20 : i32
    %dma_wait3A = arith.constant 0 : i32
    %dma_wait3A_51 = arith.constant 0 : i32
    %dma_wait3A_52 = arith.constant 0 : i32
    %dma_wait3A_53 = tpu.memref_slice %arg4[%dma_wait3A, %dma_wait3A_51, %dma_wait3A_52] : memref<30x2560x512xf32, #tpu.memory_space<hbm>> -> memref<30x2x512xf32, #tpu.memory_space<hbm>>
    %dma_wait3A_54 = arith.constant 0 : i32
    %dma_wait3A_55 = arith.constant 0 : i32
    %dma_wait3A_56 = arith.constant 0 : i32
    %dma_wait3A_57 = tpu.memref_slice %arg4[%dma_wait3A_54, %dma_wait3A_55, %dma_wait3A_56] : memref<30x2560x512xf32, #tpu.memory_space<hbm>> -> memref<30x2x512xf32, #tpu.memory_space<hbm>>
    tpu.wait_dma2 semaphore(%arg14 : memref<!tpu.dma_semaphore, #tpu.memory_space<semaphore_mem>>) src(%arg7 : memref<30x2x512xf32, #tpu.memory_space<vmem>>) dst(%dma_wait3A_57 : memref<30x2x512xf32, #tpu.memory_space<hbm>>)
    %dma_wait3A_58 = arith.constant 0 : i32
    %dma_wait3A_59 = arith.constant 0 : i32
    %dma_wait3A_60 = arith.constant 0 : i32
    %dma_wait3A_61 = tpu.memref_slice %arg4[%dma_wait3A_58, %dma_wait3A_59, %dma_wait3A_60] : memref<30x2560x512xf32, #tpu.memory_space<hbm>> -> memref<30x2x512xf32, #tpu.memory_space<hbm>>
    %dma_wait3A_62 = arith.constant 0 : i32
    %dma_wait3A_63 = arith.constant 0 : i32
    %dma_wait3A_64 = arith.constant 0 : i32
    %dma_wait3A_65 = tpu.memref_slice %arg4[%dma_wait3A_62, %dma_wait3A_63, %dma_wait3A_64] : memref<30x2560x512xf32, #tpu.memory_space<hbm>> -> memref<30x2x512xf32, #tpu.memory_space<hbm>>
    tpu.wait_dma2 semaphore(%arg15 : memref<!tpu.dma_semaphore, #tpu.memory_space<semaphore_mem>>) src(%arg8 : memref<30x2x512xf32, #tpu.memory_space<vmem>>) dst(%dma_wait3A_65 : memref<30x2x512xf32, #tpu.memory_space<hbm>>)
    return
  }
}

module attributes {stable_mosaic.version = 14 : i64} {
  func.func @_minmax_tc_body(%arg0: memref<2560x512xf32, #tpu.memory_space<vmem>>, %arg1: memref<8x128xf32, #tpu.memory_space<vmem>>) attributes {dimension_semantics = [], scalar_prefetch = 0 : i64, scratch_operands = 0 : i64, tpu.core_type = #tpu.core_type<tc>} {
    %get3A = arith.constant 0 : index
    %get3A_0 = arith.constant 0 : index
    %get3A_1 = vector.load %arg0[%get3A, %get3A_0] : memref<2560x512xf32, #tpu.memory_space<vmem>>, vector<2560x512xf32>
    %reduce_min3A = vector.shape_cast %get3A_1 : vector<2560x512xf32> to vector<1x2560x512xf32>
    %reduce_min3A_2 = arith.constant dense<0x7F800000> : vector<1xf32>
    %reduce_min3A_3 = vector.multi_reduction <minimumf>, %reduce_min3A, %reduce_min3A_2 [1, 2] : vector<1x2560x512xf32> to vector<1xf32>
    %reduce_min3A_4 = vector.shape_cast %reduce_min3A_3 : vector<1xf32> to vector<1x1x1xf32>
    %reduce_min3A_5 = vector.extract %reduce_min3A_4[0, 0, 0] : f32 from vector<1x1x1xf32>
    %reduce_max3A = vector.shape_cast %get3A_1 : vector<2560x512xf32> to vector<1x2560x512xf32>
    %reduce_max3A_6 = arith.constant dense<0xFF800000> : vector<1xf32>
    %reduce_max3A_7 = vector.multi_reduction <maximumf>, %reduce_max3A, %reduce_max3A_6 [1, 2] : vector<1x2560x512xf32> to vector<1xf32>
    %reduce_max3A_8 = vector.shape_cast %reduce_max3A_7 : vector<1xf32> to vector<1x1x1xf32>
    %reduce_max3A_9 = vector.extract %reduce_max3A_8[0, 0, 0] : f32 from vector<1x1x1xf32>
    %iota3A = tpu.iota {dimensions = array<i32: 0>} : vector<8x128xi32>
    %eq3A = arith.constant 0 : i32
    %eq3A_10 = vector.broadcast %eq3A : i32 to vector<8x128xi32>
    %eq3A_11 = arith.cmpi eq, %iota3A, %eq3A_10 : vector<8x128xi32>
    %broadcast_in_dim3A = vector.broadcast %reduce_min3A_5 : f32 to vector<8x128xf32>
    %broadcast_in_dim3A_12 = vector.broadcast %reduce_max3A_9 : f32 to vector<8x128xf32>
    %select_n3A = arith.select %eq3A_11, %broadcast_in_dim3A, %broadcast_in_dim3A_12 : vector<8x128xi1>, vector<8x128xf32>
    %swap3A = arith.constant 0 : index
    %swap3A_13 = arith.constant 0 : index
    %swap3A_14 = vector.load %arg1[%swap3A, %swap3A_13] : memref<8x128xf32, #tpu.memory_space<vmem>>, vector<8x128xf32>
    tpu.vector_store %arg1[%swap3A, %swap3A_13], %select_n3A {strides = array<i32>} : memref<8x128xf32, #tpu.memory_space<vmem>>, vector<8x128xf32>,
    return
  }
}

</mosaic_0001>

<sc_bundles>
// kernel: kernel.4.cloned.1.call-start
scs
__scs_entry_jumppad:
0x0: {  	(pc) =	sbr.rel $0x88, $3  }
0x1: {  	(tag) =	ssettag $0x0;
	lr =	simm.s32 $0x1  }
0x2: {  	[smem:$0x3FA0] =	sst lr;
	_ =	strace $0xD0000000  }
0x3: {  	_ = 	snop  }
0x4: {  	_ = 	snop  }
0x5: {  	_ = 	snop  }
0x6: {  	_ = 	snop  }
0x7: {  	_ = 	snop  }
__scs_overlays_trampoline_lowered:
0x8: {  	[smem:$0x3FAF] =	sst s0  }
0x9: {  	[smem:$0x3FB0] =	sst s1  }
0xa: {  	[smem:$0x3FB1] =	sst s2  }
0xb: {  	[smem:$0x3FB2] =	sst s3  }
0xc: {  	[smem:$0x3FB3] =	sst s4  }
0xd: {  	[smem:$0x3FB4] =	sst s5  }
0xe: {  	[smem:$0x3FB5] =	sst s6  }
0xf: {  	[smem:$0x3FB6] =	sst s7  }
0x10: {  	[smem:$0x3FB7] =	sst s8  }
0x11: {  	[smem:$0x3FB8] =	sst s9;
	s0 =	simm.s32 @!p0 $0x0  }
0x12: {  	s1 =	sld [smem:$0x3F9E];
	s0 =	simm.s32 @p0 $0x1  }
0x13: {  	[smem:$0x3FB9] =	sst s0;
	s0 =	simm.s32 @!p1 $0x0  }
0x14: {  	s2 =	sld [smem:$0x3F9D];
	s0 =	simm.s32 @p1 $0x1  }
0x15: {  	[smem:$0x3FBA] =	sst s0;
	s0 =	simm.s32 @!p2 $0x0  }
0x16: {  	s3 =	sld [smem:$0x3FDB];
	s0 =	simm.s32 @p2 $0x1  }
0x17: {  	s4 =	simm.s32 $0x1BF5;
	[smem:$0x3FBC] =	sst s0  }
0x18: {  	s0 =	sld [smem:$0x3F9F];
	_ =	swait.ge [sflag:s4], $0x0  }
0x19: {  	s7 =	sld [smem:$0x3FA0]  }
0x1a: {  	s8 =	sadd.s32 $0xFFFFE003, lr  }
0x1b: {  	s9 =	sadd.s32 $0xFFFFFEF7, lr;
	s5 =	simm.s32 $0xFFFFFFFF;
	p2 =	slt.u32 s8, $0xFFFFF086  }
0x1c: {  	p1 =	slt.u32 s9, $0xF7A;
	s5 =	simm.s32 @!p2 $0x0  }
0x1d: {  	s5 =	simm.s32 @p1 $0x1;
	p0 =	seq.s32 s7, s2  }
0x1e: {  	s7 =	smul.u32 @!p0 $0xF7A, s2;
	p2 =	seq.s32 @!p0 s5, $0x0  }
0x1f: {  	s9 =	smul.u32 $0xF7A, s1;
	s8 =	simm.s32 @!p0 $0x1BF5;
	p2 =	por !p2, p0  }
0x20: {  	[sflag:s8] =	ssyncset.s32 @!p0 $0xFFFFF086;
	s6 =	sadd.s32 @!p0 s3, s7;
	s7 =	simm.s32 @!p0 $0x108  }
0x21: {  	s3 =	sadd.s32 s3, s9;
	s6 =	sadd.s32 @!p0 $0x88, s6;
	s7 =	simm.s32 @p2 $0x1082  }
0x22: {  	[simem:s7], [sflag:s8] =	dma.local @!p0 [hbm:s6], $0xF7A  }
0x23: {  	s9 =	sor.u32 $0xD0000000, s2;
	s6 =	simm.s32 $0x108;
	_ =	swait.ge @!p0 [sflag:s8], $0x0  }
0x24: {  	s3 =	sadd.s32 $0x88, s3;
	s6 =	simm.s32 @!p1 $0x1082;
	[sflag:s4] =	ssyncset.s32 $0xFFFFF086  }
0x25: {  	[simem:s6], [sflag:s4] =	dma.local [hbm:s3], $0xF7A  }
0x26: {  	[smem:$0x3FA0] =	sst s1;
	(tag) =	ssettag s2;
	_ =	strace s9  }
0x27: {  	s1 =	sld [smem:$0x3FB0]  }
0x28: {  	s2 =	sld [smem:$0x3FB1]  }
0x29: {  	s4 =	sld [smem:$0x3FB3]  }
0x2a: {  	p0 =	seq.s32 s5, $0x0;
	s5 =	sld [smem:$0x3FB4]  }
0x2b: {  	s6 =	sld [smem:$0x3FB5]  }
0x2c: {  	s7 =	sld [smem:$0x3FB6]  }
0x2d: {  	s3 =	simm.s32 $0x108;
	s8 =	sld [smem:$0x3FB7]  }
0x2e: {  	s3 =	simm.s32 @!p0 $0x1082;
	s9 =	sld [smem:$0x3FB8]  }
0x2f: {  	lr =	sadd.s32 s0, s3;
	s0 =	sld [smem:$0x3FAF]  }
0x30: {  	s3 =	sld [smem:$0x3FB2]  }
0x31: {  	[smem:$0x3FBB] =	sst s10  }
0x32: {  	s10 =	sld [smem:$0x3FB9];
	_ =	sdelay $0x3  }
0x33: {  	p0 =	seq.s32 s10, $0x1;
	s10 =	sld [smem:$0x3FBB];
	_ =	sdelay $0x3  }
0x34: {  	[smem:$0x3FBB] =	sst s10  }
0x35: {  	s10 =	sld [smem:$0x3FBA];
	_ =	sdelay $0x3  }
0x36: {  	p1 =	seq.s32 s10, $0x1;
	s10 =	sld [smem:$0x3FBB];
	_ =	sdelay $0x3  }
0x37: {  	[smem:$0x3FBB] =	sst s10  }
0x38: {  	s10 =	sld [smem:$0x3FBC]  }
0x39: {  	_ = 	snop;
	(pc) =	sbr.ind lr, $3  }
0x3a: {  	_ = 	snop  }
0x3b: {  	_ = 	snop  }
0x3c: {  	p2 =	seq.s32 s10, $0x1;
	s10 =	sld [smem:$0x3FBB]  }
0x3d: {  	_ =	shalt  }
0x3e: {  	_ =	shalt  }
0x3f: {  	_ =	shalt  }
0x40: {  	_ =	shalt  }
0x41: {  	_ =	shalt  }
0x42: {  	_ =	shalt  }
0x43: {  	_ =	shalt  }
0x44: {  	_ =	shalt  }
0x45: {  	_ =	shalt  }
0x46: {  	_ =	shalt  }
0x47: {  	_ =	shalt  }
0x48: {  	_ =	shalt  }
0x49: {  	_ =	shalt  }
0x4a: {  	_ =	shalt  }
0x4b: {  	_ =	shalt  }
0x4c: {  	_ =	shalt  }
0x4d: {  	_ =	shalt  }
0x4e: {  	_ =	shalt  }
0x4f: {  	_ =	shalt  }
0x50: {  	_ =	shalt  }
0x51: {  	_ =	shalt  }
0x52: {  	_ =	shalt  }
0x53: {  	_ =	shalt  }
0x54: {  	_ =	shalt  }
0x55: {  	_ =	shalt  }
0x56: {  	_ =	shalt  }
0x57: {  	_ =	shalt  }
0x58: {  	_ =	shalt  }
0x59: {  	_ =	shalt  }
0x5a: {  	_ =	shalt  }
0x5b: {  	_ =	shalt  }
0x5c: {  	_ =	shalt  }
0x5d: {  	_ =	shalt  }
0x5e: {  	_ =	shalt  }
0x5f: {  	_ =	shalt  }
0x60: {  	_ =	shalt  }
0x61: {  	_ =	shalt  }
0x62: {  	_ =	shalt  }
0x63: {  	_ =	shalt  }
0x64: {  	_ =	shalt  }
0x65: {  	_ =	shalt  }
0x66: {  	_ =	shalt  }
0x67: {  	_ =	shalt  }
0x68: {  	_ =	shalt  }
0x69: {  	_ =	shalt  }
0x6a: {  	_ =	shalt  }
0x6b: {  	_ =	shalt  }
0x6c: {  	_ =	shalt  }
0x6d: {  	_ =	shalt  }
0x6e: {  	_ =	shalt  }
0x6f: {  	_ =	shalt  }
0x70: {  	_ =	shalt  }
0x71: {  	_ =	shalt  }
0x72: {  	_ =	shalt  }
0x73: {  	_ =	shalt  }
0x74: {  	_ =	shalt  }
0x75: {  	_ =	shalt  }
0x76: {  	_ =	shalt  }
0x77: {  	_ =	shalt  }
0x78: {  	_ =	shalt  }
0x79: {  	_ =	shalt  }
0x7a: {  	_ =	shalt  }
0x7b: {  	_ =	shalt  }
0x7c: {  	_ =	shalt  }
0x7d: {  	_ =	shalt  }
0x7e: {  	_ =	shalt  }
0x7f: {  	_ =	shalt  }
0x80: {  	_ =	shalt  }
0x81: {  	_ =	shalt  }
0x82: {  	_ =	shalt  }
0x83: {  	_ =	shalt  }
0x84: {  	_ =	shalt  }
0x85: {  	_ =	shalt  }
0x86: {  	_ =	shalt  }
0x87: {  	_ =	shalt  }
.Lfunc_end0:
.L_simem_size_0:
called_computation_lowered:
.L_overlay_start_0:
0x88: {  	s2 =	sld [smem:$0x3FD9]  }
0x89: {  	s3 =	sld [smem:$0x3FFE];
	_ =	sdelay $0x1  }
0x8a: {  	s1 =	srdreg.scid  }
0x8b: {  	s0 =	sand.u32 $0x1, s1  }
0x8c: {  	s17 =	sshll.u32 s0, $0xA;
	s2 =	sadd.s32 s3, s2  }
0x8d: {  	s2 =	sadd.s32 s2, s17  }
0x8e: {  	[smem:$0x3FC7] =	sst s2  }
0x8f: {  	_ = 	snop  }
0x90: {  	s2 =	sld [smem:$0x3FD0];
	(tm) =	ssettm $0x1  }
0x91: {  	s18 =	sld [smem:$0x3FFB];
	_ =	sdelay $0x3  }
0x92: {  	_ =	strace s18  }
0x93: {  	s3 =	sld [smem:$0x3FFC];
	_ =	sdelay $0x3  }
0x94: {  	_ =	strace s3  }
0x95: {  	s3 =	sld [smem:$0x3FFD];
	_ =	sdelay $0x3  }
0x96: {  	_ =	strace s3  }
0x97: {  	_ =	strace $0x8FFFFFFF  }
0x98: {  	s19 =	sld [smem:$0x3FDB];
	_ =	sdelay $0x1  }
0x99: {  	s4 =	simm.s32 $_scs_section_size  }
0x9a: {  	s5 =	simm.s32 $_size__tile_overlayer_lowered;
	s6 =	simm.s32 $_tile_overlayer_lowered  }
0x9b: {  	s22 =	simm.s32 $0x1BFF;
	s21 =	sshll.u32 s6, $0x1;
	s3 =	sadd.s32 s4, s19  }
0x9c: {  	s7 =	simm.s32 $0x0;
	s20 =	sshll.u32 s5, $0x1;
	s5 =	sadd.s32 s21, s3  }
0x9d: {  	[timem:s7], [sflag:s22] =	dma.local [hbm:s5], s20  }
0x9e: {  	_ =	swait.ge [sflag:s22], s20  }
0x9f: {  	s4 =	ssub.s32 $0x0, s20;
	[sflag:s22] =	ssyncset.done $0x0  }
0xa0: {  	[sflag:s22] =	ssyncadd.s32 s4;
	_ =	sdelay $0x1  }
0xa1: {  	s23 =	simm.s32 $0x1B8B  }
0xa2: {  	_ =	swait.ge [sflag:s23], $0x1  }
0xa3: {  	[sflag:s23] =	ssyncset.done $0x0  }
0xa4: {  	s25 =	simm.s32 $0x1B8E;
	s24 =	sld [smem:$0x3FFE];
	[sflag:s23] =	ssyncadd.s32 $0xFFFFFFFF  }
0xa5: {  	s26 =	simm.s32 $execute0_lowered;
	[smem:$0x3FD2] =	sst s25  }
0xa6: {  	s5 =	sshll.u32 s26, $0x1;
	_ =	strace $0x80000046;
	[dreg:$0x1] =	wrdreg $0xFFFFFFFF  }
0xa7: {  	s28 =	simm.s32 $_size_execute0_lowered;
	s3 =	sadd.s32 s3, s5;
	[dreg:$0x0] =	wrdreg $0x0  }
0xa8: {  	s5 =	sshll.u32 s28, $0x1;
	[dreg:$0x2] =	wrdreg s3  }
0xa9: {  	[dreg:$0x3] =	wrdreg s5  }
0xaa: {  	[dreg:$0x4] =	wrdreg $0xC0  }
0xab: {  	_ =	task [dreg:s7], $0x5FFFF  }
0xac: {  	[dreg:$0x1] =	wrdreg $0xFFFFFFFF  }
0xad: {  	[dreg:$0x0] =	wrdreg $0x60  }
0xae: {  	[dreg:$0x2] =	wrdreg s24  }
0xaf: {  	[dreg:$0x3] =	wrdreg s2  }
0xb0: {  	[dreg:$0x4] =	wrdreg $0x9  }
0xb1: {  	_ =	task.clear_ibuf [dreg:s7], $0x5FFFF;
	_ =	strace $0x90000046  }
0xb2: {  	s29 =	simm.s32 $0x9;
	_ =	strace $0x80000048  }
0xb3: {  	_ =	swait.ge [sflag:s29], $0x1  }
0xb4: {  	[sflag:s29] =	ssyncadd.s32 $0xFFFFFFFF  }
0xb5: {  	_ =	strace $0x90000048  }
0xb6: {  	_ =	sfence  }
0xb7: {  	s30 =	sld [smem:$0x0];
	_ =	sdelay $0x2  }
0xb8: {  	s31 =	sshll.u32 s1, $0xD;
	s1 =	sshrl.u32 s1, $0x2  }
0xb9: {  	s3 =	sand.u32 $0x4000, s31;
	s1 =	sadd.s32 s1, s30  }
0xba: {  	s0 =	sor.u32 s3, s0;
	s1 =	sshll.u32 s1, $0x11  }
0xbb: {  	s0 =	sor.u32 s1, s0  }
0xbc: {  	s0 =	sadd.s32 $0x8F2B, s0  }
0xbd: {  	[sflag:s0] =	ssyncadd.remote.s32 $0x1  }
0xbe: {  	_ =	sfence.sel $0xFFFF  }
0xbf: {  	[dreg:$0x0] =	wrdreg $0xFFFFFFFF;
	(pc) =	sbr.abs _section_cstart, $3  }
0xc0: {  	[dreg:$0x1] =	wrdreg $0xFFFFFFFF  }
0xc1: {  	_ =	task.clear_ibuf [dreg:s7], $0x2FFFF;
	_ =	strace $0x9FFFFFFF  }
0xc2: {  	(tm) =	ssettm $0x7FFFFFFF  }
0xc3: {  	_ =	shalt  }
tec
execute0_lowered:
.L_overlay_start_1:
0x0: {  	(tag) =	ssettag $0x1  }
0x1: {  	s0 =	srdreg.scid;
	s7 =	rddreg [dreg:$0x0]  }
0x2: {  	s2 =	rddreg [dreg:$0x1];
	s31 =	stileid.u32;
	s3 =	simm.s32 $0x0  }
0x3: {  	s13 =	simm.s32 $0x10000;
	s14 =	simm.s32 $0x5;
	s15 =	simm.s32 $0x400  }
0x4: {  	s16 =	simm.s32 $0x1;
	s17 =	simm.s32 $0x800;
	s5 =	sand.u32 $0x1, s0  }
0x5: {  	s18 =	simm.s32 $0x100;
	s19 =	simm.s32 $0x2;
	s4 =	sshll.u32 s5, $0x4  }
0x6: {  	s20 =	simm.s32 $0x4;
	s21 =	simm.s32 $0x8000;
	s9 =	sor.u32 s31, s4  }
0x7: {  	s22 =	simm.s32 $0x3;
	s23 =	simm.s32 $0x0;
	s6 =	smul.u32 $0x1400, s9  }
.Ltmp0:
0x8: {  	[smem:$0x7FF] =	sst s3;
	s8 =	ssub.s32 $0x2, s5;
	(pc) =	sbr.rel .LBB2_1-.Ltmp0, $4  }
0x9: {  	_ =	strace $0x80000047;
	s4 =	sadd.s32 $0xA00, s7;
	s10 =	sshrl.u32 s8, $0x1  }
0xa: {  	s12 =	ssub.s32 s8, s10;
	s5 =	sadd.s32 s4, s6;
	s6 =	smul.u32 $0x50, s9  }
0xb: {  	s7 =	sadd.s32 $0x800, s7;
	s12 =	smax.u32 s12, $0x1;
	s9 =	smul.u32 $0xA000, s9  }
0xc: {  	v0 =	vimm.f32 $0.0e+00;
	v1 =	vimm.f32 $1.000000000e+00;
	v2 =	vlaneseq.u32;
	s8 =	sadd.s32 $0x80, s5;
	s10 =	sor.u32 $0x4, s6;
	s11 =	sor.u32 $0x6, s6  }
.LBB2_26:
0xd: {  	s23 =	sadd.s32 $0x1, s23  }
0xe: {  	_ =	swait.ge [sflag:s22], $0x7800;
	p0 =	sne.s32 s23, s12  }
.Ltmp1:
0xf: {  	[sflag:s22] =	ssyncset.done $0x0;
	(pc) =	sbr.rel @!p0 .LBB2_27-.Ltmp1, $4  }
0x10: {  	[sflag:s22] =	ssyncadd.s32 $0xFFFF8800  }
0x11: {  	_ =	swait.ge [sflag:s20], $0x7800  }
0x12: {  	[sflag:s20] =	ssyncset.done $0x0  }
0x13: {  	[sflag:s20] =	ssyncadd.s32 $0xFFFF8800  }
.LBB2_1:
0x14: {  	[tilespmem:s13], [sflag:$0x5] =	stream.linear.gather [hbm4b:s7+s3], $0x400, $0x38;
	[tilespmem:$0x10400] =	vst v63  }
0x15: {  	_ =	swait.ge [sflag:s14], $0x400  }
0x16: {  	[sflag:s14] =	ssyncset.done $0x0  }
0x17: {  	[sflag:s14] =	ssyncadd.s32 $0xFFFFFC00  }
0x18: {  	v3 =	vld [tilespmem:$0x10000]  }
0x19: {  	s24 =	simm.s32 $0x0;
	s25 =	simm.s32 $0x1000;
	v4 =	vld [tilespmem:$0x10080]  }
.LBB2_2:
0x1a: {  	p0 =	sne.s32 s25, $0x1D000;
	[tilespmem:s24+$0xBF0] =	vst v0  }
0x1b: {  	[tilespmem:s24+$0x800] =	vst v0  }
0x1c: {  	[tilespmem:s24+$0x810] =	vst v0  }
0x1d: {  	[tilespmem:s24+$0x820] =	vst v0  }
0x1e: {  	[tilespmem:s24+$0x830] =	vst v0  }
0x1f: {  	[tilespmem:s24+$0x840] =	vst v0  }
0x20: {  	[tilespmem:s24+$0x850] =	vst v0  }
0x21: {  	[tilespmem:s24+$0x860] =	vst v0  }
0x22: {  	[tilespmem:s24+$0x870] =	vst v0  }
0x23: {  	[tilespmem:s24+$0x900] =	vst v0  }
0x24: {  	[tilespmem:s24+$0x910] =	vst v0  }
0x25: {  	[tilespmem:s24+$0x920] =	vst v0  }
0x26: {  	[tilespmem:s24+$0x930] =	vst v0  }
0x27: {  	[tilespmem:s24+$0x940] =	vst v0  }
0x28: {  	[tilespmem:s24+$0x950] =	vst v0  }
0x29: {  	[tilespmem:s24+$0x960] =	vst v0  }
0x2a: {  	[tilespmem:s24+$0x970] =	vst v0  }
0x2b: {  	[tilespmem:s24+$0xA00] =	vst v0  }
0x2c: {  	[tilespmem:s24+$0xA10] =	vst v0  }
0x2d: {  	[tilespmem:s24+$0xA20] =	vst v0  }
0x2e: {  	[tilespmem:s24+$0xA30] =	vst v0  }
0x2f: {  	[tilespmem:s24+$0xA40] =	vst v0  }
0x30: {  	[tilespmem:s24+$0xA50] =	vst v0  }
0x31: {  	[tilespmem:s24+$0xA60] =	vst v0  }
0x32: {  	[tilespmem:s24+$0xA70] =	vst v0  }
0x33: {  	[tilespmem:s24+$0xB00] =	vst v0  }
0x34: {  	[tilespmem:s24+$0xB10] =	vst v0  }
0x35: {  	[tilespmem:s24+$0xB20] =	vst v0  }
0x36: {  	[tilespmem:s24+$0xB30] =	vst v0  }
0x37: {  	[tilespmem:s24+$0xB40] =	vst v0  }
0x38: {  	[tilespmem:s24+$0xB50] =	vst v0  }
0x39: {  	[tilespmem:s24+$0xB60] =	vst v0  }
0x3a: {  	[tilespmem:s24+$0xB70] =	vst v0  }
0x3b: {  	[tilespmem:s24+$0x880] =	vst v0  }
0x3c: {  	[tilespmem:s24+$0x890] =	vst v0  }
0x3d: {  	[tilespmem:s24+$0x8A0] =	vst v0  }
0x3e: {  	[tilespmem:s24+$0x8B0] =	vst v0  }
0x3f: {  	[tilespmem:s24+$0x8C0] =	vst v0  }
0x40: {  	[tilespmem:s24+$0x8D0] =	vst v0  }
0x41: {  	[tilespmem:s24+$0x8E0] =	vst v0  }
0x42: {  	[tilespmem:s24+$0x8F0] =	vst v0  }
0x43: {  	[tilespmem:s24+$0x980] =	vst v0  }
0x44: {  	[tilespmem:s24+$0x990] =	vst v0  }
0x45: {  	[tilespmem:s24+$0x9A0] =	vst v0  }
0x46: {  	[tilespmem:s24+$0x9B0] =	vst v0  }
0x47: {  	[tilespmem:s24+$0x9C0] =	vst v0  }
0x48: {  	[tilespmem:s24+$0x9D0] =	vst v0  }
0x49: {  	[tilespmem:s24+$0x9E0] =	vst v0  }
0x4a: {  	[tilespmem:s24+$0x9F0] =	vst v0  }
0x4b: {  	[tilespmem:s24+$0xA80] =	vst v0  }
0x4c: {  	[tilespmem:s24+$0xA90] =	vst v0  }
0x4d: {  	[tilespmem:s24+$0xAA0] =	vst v0  }
0x4e: {  	[tilespmem:s24+$0xAB0] =	vst v0  }
0x4f: {  	[tilespmem:s24+$0xAC0] =	vst v0  }
0x50: {  	[tilespmem:s24+$0xAD0] =	vst v0  }
0x51: {  	[tilespmem:s24+$0xAE0] =	vst v0  }
0x52: {  	[tilespmem:s24+$0xAF0] =	vst v0  }
0x53: {  	[tilespmem:s24+$0xB80] =	vst v0  }
0x54: {  	[tilespmem:s24+$0xB90] =	vst v0  }
.Ltmp2:
0x55: {  	[tilespmem:s24+$0xBA0] =	vst v0;
	(pc) =	sbr.rel @p0 .LBB2_2-.Ltmp2, $4  }
0x56: {  	[tilespmem:s24+$0xBB0] =	vst v0  }
0x57: {  	[tilespmem:s24+$0xBC0] =	vst v0  }
0x58: {  	[tilespmem:s24+$0xBD0] =	vst v0  }
0x59: {  	[tilespmem:s24+$0xBE0] =	vst v0;
	s24 =	sshra.s32 s25, $0x2;
	s25 =	sadd.s32 $0x1000, s25  }
0x5a: {  	[tilespmem:s24+$0xBF0] =	vst v0  }
0x5b: {  	[tilespmem:s24+$0x800] =	vst v0  }
0x5c: {  	[tilespmem:s24+$0x810] =	vst v0  }
0x5d: {  	[tilespmem:s24+$0x820] =	vst v0  }
0x5e: {  	[tilespmem:s24+$0x830] =	vst v0  }
0x5f: {  	[tilespmem:s24+$0x840] =	vst v0  }
0x60: {  	[tilespmem:s24+$0x850] =	vst v0  }
0x61: {  	[tilespmem:s24+$0x860] =	vst v0  }
0x62: {  	[tilespmem:s24+$0x870] =	vst v0  }
0x63: {  	[tilespmem:s24+$0x900] =	vst v0  }
0x64: {  	[tilespmem:s24+$0x910] =	vst v0  }
0x65: {  	[tilespmem:s24+$0x920] =	vst v0  }
0x66: {  	[tilespmem:s24+$0x930] =	vst v0  }
0x67: {  	[tilespmem:s24+$0x940] =	vst v0  }
0x68: {  	[tilespmem:s24+$0x950] =	vst v0  }
0x69: {  	[tilespmem:s24+$0x960] =	vst v0  }
0x6a: {  	[tilespmem:s24+$0x970] =	vst v0  }
0x6b: {  	[tilespmem:s24+$0xA00] =	vst v0  }
0x6c: {  	[tilespmem:s24+$0xA10] =	vst v0  }
0x6d: {  	[tilespmem:s24+$0xA20] =	vst v0  }
0x6e: {  	[tilespmem:s24+$0xA30] =	vst v0  }
0x6f: {  	[tilespmem:s24+$0xA40] =	vst v0  }
0x70: {  	[tilespmem:s24+$0xA50] =	vst v0  }
0x71: {  	[tilespmem:s24+$0xA60] =	vst v0  }
0x72: {  	[tilespmem:s24+$0xA70] =	vst v0  }
0x73: {  	[tilespmem:s24+$0xB00] =	vst v0  }
0x74: {  	[tilespmem:s24+$0xB10] =	vst v0  }
0x75: {  	[tilespmem:s24+$0xB20] =	vst v0  }
0x76: {  	[tilespmem:s24+$0xB30] =	vst v0  }
0x77: {  	[tilespmem:s24+$0xB40] =	vst v0  }
0x78: {  	[tilespmem:s24+$0xB50] =	vst v0  }
0x79: {  	[tilespmem:s24+$0xB60] =	vst v0  }
0x7a: {  	[tilespmem:s24+$0xB70] =	vst v0  }
0x7b: {  	[tilespmem:s24+$0x880] =	vst v0  }
0x7c: {  	[tilespmem:s24+$0x890] =	vst v0  }
0x7d: {  	[tilespmem:s24+$0x8A0] =	vst v0  }
0x7e: {  	[tilespmem:s24+$0x8B0] =	vst v0  }
0x7f: {  	[tilespmem:s24+$0x8C0] =	vst v0  }
0x80: {  	[tilespmem:s24+$0x8D0] =	vst v0  }
0x81: {  	[tilespmem:s24+$0x8E0] =	vst v0  }
0x82: {  	[tilespmem:s24+$0x8F0] =	vst v0  }
0x83: {  	[tilespmem:s24+$0x980] =	vst v0  }
0x84: {  	[tilespmem:s24+$0x990] =	vst v0  }
0x85: {  	[tilespmem:s24+$0x9A0] =	vst v0  }
0x86: {  	[tilespmem:s24+$0x9B0] =	vst v0  }
0x87: {  	[tilespmem:s24+$0x9C0] =	vst v0  }
0x88: {  	[tilespmem:s24+$0x9D0] =	vst v0  }
0x89: {  	[tilespmem:s24+$0x9E0] =	vst v0  }
0x8a: {  	[tilespmem:s24+$0x9F0] =	vst v0  }
0x8b: {  	[tilespmem:s24+$0xA80] =	vst v0  }
0x8c: {  	[tilespmem:s24+$0xA90] =	vst v0  }
0x8d: {  	[tilespmem:s24+$0xAA0] =	vst v0  }
0x8e: {  	[tilespmem:s24+$0xAB0] =	vst v0  }
0x8f: {  	[tilespmem:s24+$0xAC0] =	vst v0  }
0x90: {  	[tilespmem:s24+$0xAD0] =	vst v0  }
0x91: {  	[tilespmem:s24+$0xAE0] =	vst v0  }
0x92: {  	[tilespmem:s24+$0xAF0] =	vst v0  }
0x93: {  	[tilespmem:s24+$0xB80] =	vst v0  }
0x94: {  	[tilespmem:s24+$0xB90] =	vst v0  }
0x95: {  	[tilespmem:s24+$0xBA0] =	vst v0  }
0x96: {  	[tilespmem:s24+$0xBB0] =	vst v0  }
0x97: {  	[tilespmem:s24+$0xBC0] =	vst v0  }
0x98: {  	[tilespmem:s24+$0xBD0] =	vst v0  }
0x99: {  	[tilespmem:s24+$0xBE0] =	vst v0;
	s24 =	simm.s32 $0x0;
	s25 =	simm.s32 $0x1000  }
.LBB2_4:
0x9a: {  	p0 =	sne.s32 s25, $0x1D000;
	[tilespmem:s24+$0x83F0] =	vst v0  }
0x9b: {  	[tilespmem:s24+$0x8000] =	vst v0  }
0x9c: {  	[tilespmem:s24+$0x8010] =	vst v0  }
0x9d: {  	[tilespmem:s24+$0x8020] =	vst v0  }
0x9e: {  	[tilespmem:s24+$0x8030] =	vst v0  }
0x9f: {  	[tilespmem:s24+$0x8040] =	vst v0  }
0xa0: {  	[tilespmem:s24+$0x8050] =	vst v0  }
0xa1: {  	[tilespmem:s24+$0x8060] =	vst v0  }
0xa2: {  	[tilespmem:s24+$0x8070] =	vst v0  }
0xa3: {  	[tilespmem:s24+$0x8100] =	vst v0  }
0xa4: {  	[tilespmem:s24+$0x8110] =	vst v0  }
0xa5: {  	[tilespmem:s24+$0x8120] =	vst v0  }
0xa6: {  	[tilespmem:s24+$0x8130] =	vst v0  }
0xa7: {  	[tilespmem:s24+$0x8140] =	vst v0  }
0xa8: {  	[tilespmem:s24+$0x8150] =	vst v0  }
0xa9: {  	[tilespmem:s24+$0x8160] =	vst v0  }
0xaa: {  	[tilespmem:s24+$0x8170] =	vst v0  }
0xab: {  	[tilespmem:s24+$0x8200] =	vst v0  }
0xac: {  	[tilespmem:s24+$0x8210] =	vst v0  }
0xad: {  	[tilespmem:s24+$0x8220] =	vst v0  }
0xae: {  	[tilespmem:s24+$0x8230] =	vst v0  }
0xaf: {  	[tilespmem:s24+$0x8240] =	vst v0  }
0xb0: {  	[tilespmem:s24+$0x8250] =	vst v0  }
0xb1: {  	[tilespmem:s24+$0x8260] =	vst v0  }
0xb2: {  	[tilespmem:s24+$0x8270] =	vst v0  }
0xb3: {  	[tilespmem:s24+$0x8300] =	vst v0  }
0xb4: {  	[tilespmem:s24+$0x8310] =	vst v0  }
0xb5: {  	[tilespmem:s24+$0x8320] =	vst v0  }
0xb6: {  	[tilespmem:s24+$0x8330] =	vst v0  }
0xb7: {  	[tilespmem:s24+$0x8340] =	vst v0  }
0xb8: {  	[tilespmem:s24+$0x8350] =	vst v0  }
0xb9: {  	[tilespmem:s24+$0x8360] =	vst v0  }
0xba: {  	[tilespmem:s24+$0x8370] =	vst v0  }
0xbb: {  	[tilespmem:s24+$0x8080] =	vst v0  }
0xbc: {  	[tilespmem:s24+$0x8090] =	vst v0  }
0xbd: {  	[tilespmem:s24+$0x80A0] =	vst v0  }
0xbe: {  	[tilespmem:s24+$0x80B0] =	vst v0  }
0xbf: {  	[tilespmem:s24+$0x80C0] =	vst v0  }
0xc0: {  	[tilespmem:s24+$0x80D0] =	vst v0  }
0xc1: {  	[tilespmem:s24+$0x80E0] =	vst v0  }
0xc2: {  	[tilespmem:s24+$0x80F0] =	vst v0  }
0xc3: {  	[tilespmem:s24+$0x8180] =	vst v0  }
0xc4: {  	[tilespmem:s24+$0x8190] =	vst v0  }
0xc5: {  	[tilespmem:s24+$0x81A0] =	vst v0  }
0xc6: {  	[tilespmem:s24+$0x81B0] =	vst v0  }
0xc7: {  	[tilespmem:s24+$0x81C0] =	vst v0  }
0xc8: {  	[tilespmem:s24+$0x81D0] =	vst v0  }
0xc9: {  	[tilespmem:s24+$0x81E0] =	vst v0  }
0xca: {  	[tilespmem:s24+$0x81F0] =	vst v0  }
0xcb: {  	[tilespmem:s24+$0x8280] =	vst v0  }
0xcc: {  	[tilespmem:s24+$0x8290] =	vst v0  }
0xcd: {  	[tilespmem:s24+$0x82A0] =	vst v0  }
0xce: {  	[tilespmem:s24+$0x82B0] =	vst v0  }
0xcf: {  	[tilespmem:s24+$0x82C0] =	vst v0  }
0xd0: {  	[tilespmem:s24+$0x82D0] =	vst v0  }
0xd1: {  	[tilespmem:s24+$0x82E0] =	vst v0  }
0xd2: {  	[tilespmem:s24+$0x82F0] =	vst v0  }
0xd3: {  	[tilespmem:s24+$0x8380] =	vst v0  }
0xd4: {  	[tilespmem:s24+$0x8390] =	vst v0  }
.Ltmp3:
0xd5: {  	[tilespmem:s24+$0x83A0] =	vst v0;
	(pc) =	sbr.rel @p0 .LBB2_4-.Ltmp3, $4  }
0xd6: {  	[tilespmem:s24+$0x83B0] =	vst v0  }
0xd7: {  	[tilespmem:s24+$0x83C0] =	vst v0  }
0xd8: {  	[tilespmem:s24+$0x83D0] =	vst v0  }
0xd9: {  	[tilespmem:s24+$0x83E0] =	vst v0;
	s24 =	sshra.s32 s25, $0x2;
	s25 =	sadd.s32 $0x1000, s25  }
0xda: {  	[tilespmem:s24+$0x83F0] =	vst v0  }
0xdb: {  	[tilespmem:s24+$0x8000] =	vst v0  }
0xdc: {  	[tilespmem:s24+$0x8010] =	vst v0  }
0xdd: {  	[tilespmem:s24+$0x8020] =	vst v0  }
0xde: {  	[tilespmem:s24+$0x8030] =	vst v0  }
0xdf: {  	[tilespmem:s24+$0x8040] =	vst v0  }
0xe0: {  	[tilespmem:s24+$0x8050] =	vst v0  }
0xe1: {  	[tilespmem:s24+$0x8060] =	vst v0  }
0xe2: {  	[tilespmem:s24+$0x8070] =	vst v0  }
0xe3: {  	[tilespmem:s24+$0x8100] =	vst v0  }
0xe4: {  	[tilespmem:s24+$0x8110] =	vst v0  }
0xe5: {  	[tilespmem:s24+$0x8120] =	vst v0  }
0xe6: {  	[tilespmem:s24+$0x8130] =	vst v0  }
0xe7: {  	[tilespmem:s24+$0x8140] =	vst v0  }
0xe8: {  	[tilespmem:s24+$0x8150] =	vst v0  }
0xe9: {  	[tilespmem:s24+$0x8160] =	vst v0  }
0xea: {  	[tilespmem:s24+$0x8170] =	vst v0  }
0xeb: {  	[tilespmem:s24+$0x8200] =	vst v0  }
0xec: {  	[tilespmem:s24+$0x8210] =	vst v0  }
0xed: {  	[tilespmem:s24+$0x8220] =	vst v0  }
0xee: {  	[tilespmem:s24+$0x8230] =	vst v0  }
0xef: {  	[tilespmem:s24+$0x8240] =	vst v0  }
0xf0: {  	[tilespmem:s24+$0x8250] =	vst v0  }
0xf1: {  	[tilespmem:s24+$0x8260] =	vst v0  }
0xf2: {  	[tilespmem:s24+$0x8270] =	vst v0  }
0xf3: {  	[tilespmem:s24+$0x8300] =	vst v0  }
0xf4: {  	[tilespmem:s24+$0x8310] =	vst v0  }
0xf5: {  	[tilespmem:s24+$0x8320] =	vst v0  }
0xf6: {  	[tilespmem:s24+$0x8330] =	vst v0  }
0xf7: {  	[tilespmem:s24+$0x8340] =	vst v0  }
0xf8: {  	[tilespmem:s24+$0x8350] =	vst v0  }
0xf9: {  	[tilespmem:s24+$0x8360] =	vst v0  }
0xfa: {  	[tilespmem:s24+$0x8370] =	vst v0  }
0xfb: {  	[tilespmem:s24+$0x8080] =	vst v0  }
0xfc: {  	[tilespmem:s24+$0x8090] =	vst v0  }
0xfd: {  	[tilespmem:s24+$0x80A0] =	vst v0  }
0xfe: {  	[tilespmem:s24+$0x80B0] =	vst v0  }
0xff: {  	[tilespmem:s24+$0x80C0] =	vst v0  }
0x100: {  	[tilespmem:s24+$0x80D0] =	vst v0  }
0x101: {  	[tilespmem:s24+$0x80E0] =	vst v0  }
0x102: {  	[tilespmem:s24+$0x80F0] =	vst v0  }
0x103: {  	[tilespmem:s24+$0x8180] =	vst v0  }
0x104: {  	[tilespmem:s24+$0x8190] =	vst v0  }
0x105: {  	[tilespmem:s24+$0x81A0] =	vst v0  }
0x106: {  	[tilespmem:s24+$0x81B0] =	vst v0  }
0x107: {  	[tilespmem:s24+$0x81C0] =	vst v0  }
0x108: {  	[tilespmem:s24+$0x81D0] =	vst v0  }
0x109: {  	[tilespmem:s24+$0x81E0] =	vst v0  }
0x10a: {  	[tilespmem:s24+$0x81F0] =	vst v0  }
0x10b: {  	[tilespmem:s24+$0x8280] =	vst v0  }
0x10c: {  	[tilespmem:s24+$0x8290] =	vst v0  }
0x10d: {  	[tilespmem:s24+$0x82A0] =	vst v0  }
0x10e: {  	[tilespmem:s24+$0x82B0] =	vst v0  }
0x10f: {  	[tilespmem:s24+$0x82C0] =	vst v0;
	v4 =	vsub.f32 v4, v3  }
0x110: {  	[tilespmem:s24+$0x82D0] =	vst v0  }
0x111: {  	[tilespmem:s24+$0x82E0] =	vst v0;
	v4 =	vadd.f32 $9.999999930e-09, v4  }
0x112: {  	[tilespmem:s24+$0x82F0] =	vst v0  }
0x113: {  	[tilespmem:s24+$0x8380] =	vst v0;
	(erf) = vrcp.f32 v4  }
0x114: {  	[tilespmem:s24+$0x8390] =	vst v0  }
0x115: {  	[tilespmem:s24+$0x83A0] =	vst v0  }
0x116: {  	[tilespmem:s24+$0x83B0] =	vst v0  }
0x117: {  	[tilespmem:s24+$0x83C0] =	vst v0  }
0x118: {  	[tilespmem:s24+$0x83D0] =	vst v0  }
0x119: {  	[tilespmem:s24+$0x83E0] =	vst v0;
	s24 =	simm.s32 $0x0  }
0x11a: {  	[tilespmem:s24], [sflag:$0x1] =	stream.linear.gather [hbm4b:s5+s24], $0x400, $0x38;
	[tilespmem:$0x10400] =	vst v63  }
0x11b: {  	_ = 	snop  }
0x11c: {  	[tilespmem:s15], [sflag:$0x2] =	stream.linear.gather [hbm4b:s8+s24], $0x400, $0x38;
	v4 =	vpop (erf);
	[tilespmem:$0x10400] =	vst v63  }
.LBB2_6:
0x11d: {  	p0 =	seq.s32 s24, $0x0  }
.Ltmp4:
0x11e: {  	_ = 	snop;
	(pc) =	sbr.rel @p0 .LBB2_10-.Ltmp4, $4  }
0x11f: {  	_ = 	snop  }
0x120: {  	_ =	swait.ge [sflag:s16], $0x400  }
0x121: {  	[sflag:s16] =	ssyncset.done $0x0  }
0x122: {  	[sflag:s16] =	ssyncadd.s32 $0xFFFFFC00  }
0x123: {  	_ =	swait.ge [sflag:s22], $0x7800;
	s26 =	simm.s32 $0x0  }
0x124: {  	s25 =	simm.s32 $0xF800;
	s30 =	simm.s32 $0x0;
	[sflag:s22] =	ssyncset.done $0x0  }
0x125: {  	s28 =	simm.s32 $0x1;
	s29 =	sand.u32 $0x1F0, s26;
	[sflag:s22] =	ssyncadd.s32 $0xFFFF8800  }
.LBB2_8:
0x126: {  	p1 =	sne.s32 s28, $0x3F;
	v5 =	vld [tilespmem:s25+$0x0];
	v6 =	vmov s30;
	v7 =	vmov s29  }
0x127: {  	v7 =	vshll.u32 v7, $0x1;
	v6 =	vshll.u32 v6, $0x7  }
0x128: {  	v7 =	vand.u32 $0x300, v7;
	v6 =	vand.u32 $0x80, v6  }
0x129: {  	v6 =	vor.u32 v6, v7  }
0x12a: {  	v6 =	vbroadcast v6, $0x0  }
0x12b: {  	v7 =	vor.u32 s29, v2;
	v5 =	vshll.u32 v5, $0xA  }
0x12c: {  	v7 =	vand.u32 $0x7F, v7;
	v5 =	vor.u32 v6, v5  }
0x12d: {  	v5 =	vor.u32 v7, v5  }
.Ltmp5:
0x12e: {  	(pc) =	sbr.rel @p1 .LBB2_8-.Ltmp5, $3  }
0x12f: {  	_ =	sdelay $0x1  }
0x130: {  	s26 =	sadd.s32 $0x10, s26;
	s25 =	sadd.s32 $0x10, s25  }
0x131: {  	s30 =	sshrl.u32 s28, $0x5;
	s28 =	sadd.s32 $0x1, s28;
	s29 =	sand.u32 $0x1F0, s26;
	[tilespmem:v5+s17+$0x0] =	vst.idx.msk $0xffff, v0  }
0x132: {  	v5 =	vld [tilespmem:s25+$0x0];
	v6 =	vmov s30;
	v7 =	vmov s29  }
0x133: {  	v7 =	vshll.u32 v7, $0x1;
	v6 =	vshll.u32 v6, $0x7  }
0x134: {  	v7 =	vand.u32 $0x300, v7;
	v6 =	vand.u32 $0x80, v6  }
0x135: {  	v6 =	vor.u32 v6, v7  }
0x136: {  	v6 =	vbroadcast v6, $0x0  }
0x137: {  	v7 =	vor.u32 s29, v2;
	v5 =	vshll.u32 v5, $0xA  }
0x138: {  	v7 =	vand.u32 $0x7F, v7;
	v5 =	vor.u32 v6, v5  }
0x139: {  	v5 =	vor.u32 v7, v5;
	_ =	sdelay $0x4  }
0x13a: {  	[tilespmem:v5+s17+$0x0] =	vst.idx.msk $0xffff, v0  }
.LBB2_10:
0x13b: {  	s26 =	simm.s32 $0x0  }
0x13c: {  	v5 =	vld [tilespmem:s26+$0x0];
	_ =	sdelay $0x4  }
0x13d: {  	v5 =	vsub.f32 v5, v3;
	_ =	sdelay $0x1  }
0x13e: {  	v5 =	vmul.f32 v5, v4;
	_ =	sdelay $0x1  }
0x13f: {  	v5 =	vsub.f32 $1.000000000e+00, v5;
	_ =	sdelay $0x1  }
0x140: {  	v5 =	vmul.f32 $2.900000000e+01, v5;
	_ =	sdelay $0x1  }
0x141: {  	s25 =	simm.s32 $0x0;
	s28 =	sand.u32 $0x1F0, s26;
	v5 =	vtrunc.f32 v5  }
0x142: {  	v6 =	vmov s25;
	v7 =	vmov s28;
	v5 =	vcvt.f32.s32 v5  }
0x143: {  	v6 =	vshll.u32 v6, $0x7;
	v7 =	vshll.u32 v7, $0x1  }
0x144: {  	v6 =	vand.u32 $0x80, v6;
	v7 =	vand.u32 $0x300, v7;
	vm0 =	vgt.s32 v5, $0x0  }
0x145: {  	v6 =	vor.u32 v6, v7;
	v5 =	vnsel vm0, $0x0, v5  }
0x146: {  	v6 =	vbroadcast v6, $0x0;
	v5 =	vmin.u32 v5, $0x1D  }
0x147: {  	v7 =	vor.u32 s28, v2;
	v8 =	vshll.u32 v5, $0xA  }
0x148: {  	v7 =	vand.u32 $0x7F, v7;
	v6 =	vor.u32 v6, v8  }
0x149: {  	v6 =	vor.u32 v7, v6;
	_ =	sdelay $0x2  }
0x14a: {  	s28 =	simm.s32 $0xF800  }
0x14b: {  	[tilespmem:s28+$0x0] =	vst v5  }
0x14c: {  	s30 =	simm.s32 $0x10;
	[tilespmem:v6+s17+$0x0] =	vst.idx.msk $0xffff, v1  }
0x14d: {  	s29 =	simm.s32 $0x1;
	s31 =	simm.s32 $0x2;
	s25 =	sshll.u32 s24, $0x2;
	v5 =	vld [tilespmem:s30+$0x0]  }
.LBB2_11:
0x14e: {  	p1 =	sne.s32 s31, $0x3F;
	_ =	sdelay $0x3  }
0x14f: {  	v5 =	vsub.f32 v5, v3;
	_ =	sdelay $0x1  }
0x150: {  	v5 =	vmul.f32 v5, v4;
	_ =	sdelay $0x1  }
0x151: {  	v5 =	vsub.f32 $1.000000000e+00, v5;
	_ =	sdelay $0x1  }
0x152: {  	v5 =	vmul.f32 $2.900000000e+01, v5  }
0x153: {  	s26 =	sadd.s32 $0x10, s26  }
0x154: {  	s0 =	sshrl.u32 s29, $0x5;
	s29 =	smov.u32 s31;
	s1 =	sand.u32 $0x1F0, s26;
	v5 =	vtrunc.f32 v5  }
0x155: {  	v6 =	vmov s0;
	v7 =	vmov s1;
	v5 =	vcvt.f32.s32 v5  }
0x156: {  	v6 =	vshll.u32 v6, $0x7;
	v7 =	vshll.u32 v7, $0x1  }
0x157: {  	v6 =	vand.u32 $0x80, v6;
	v7 =	vand.u32 $0x300, v7;
	vm0 =	vgt.s32 v5, $0x0  }
0x158: {  	v6 =	vor.u32 v6, v7;
	v5 =	vnsel vm0, $0x0, v5  }
0x159: {  	s28 =	sadd.s32 $0x10, s28;
	v6 =	vbroadcast v6, $0x0;
	v5 =	vmin.u32 v5, $0x1D  }
0x15a: {  	v7 =	vor.u32 s1, v2;
	[tilespmem:s28+$0x0] =	vst v5;
	v5 =	vshll.u32 v5, $0xA  }
0x15b: {  	v7 =	vand.u32 $0x7F, v7;
	v5 =	vor.u32 v6, v5  }
0x15c: {  	v5 =	vor.u32 v7, v5;
	_ =	sdelay $0x1  }
.Ltmp6:
0x15d: {  	(pc) =	sbr.rel @p1 .LBB2_11-.Ltmp6, $3  }
0x15e: {  	_ =	sdelay $0x1  }
0x15f: {  	s30 =	sadd.s32 $0x10, s30;
	[tilespmem:v5+s17+$0x0] =	vst.idx.msk $0xffff, v1  }
0x160: {  	s31 =	sadd.s32 $0x1, s31;
	v5 =	vld [tilespmem:s30+$0x0]  }
0x161: {  	_ =	sdelay $0x3  }
0x162: {  	v5 =	vsub.f32 v5, v3;
	_ =	sdelay $0x1  }
0x163: {  	v5 =	vmul.f32 v5, v4;
	_ =	sdelay $0x1  }
0x164: {  	v5 =	vsub.f32 $1.000000000e+00, v5;
	_ =	sdelay $0x1  }
0x165: {  	v5 =	vmul.f32 $2.900000000e+01, v5  }
0x166: {  	s0 =	sadd.s32 $0x10, s26  }
0x167: {  	s1 =	sshrl.u32 s29, $0x5;
	s0 =	sand.u32 $0x1F0, s0;
	v5 =	vtrunc.f32 v5  }
0x168: {  	v6 =	vmov s1;
	v7 =	vmov s0;
	v5 =	vcvt.f32.s32 v5  }
0x169: {  	v6 =	vshll.u32 v6, $0x7;
	v7 =	vshll.u32 v7, $0x1  }
0x16a: {  	v6 =	vand.u32 $0x80, v6;
	v7 =	vand.u32 $0x300, v7;
	vm0 =	vgt.s32 v5, $0x0  }
0x16b: {  	v6 =	vor.u32 v6, v7;
	v5 =	vnsel vm0, $0x0, v5  }
0x16c: {  	v6 =	vbroadcast v6, $0x0;
	v5 =	vmin.u32 v5, $0x1D  }
0x16d: {  	v7 =	vor.u32 s0, v2;
	v8 =	vshll.u32 v5, $0xA  }
0x16e: {  	v7 =	vand.u32 $0x7F, v7;
	v6 =	vor.u32 v6, v8  }
0x16f: {  	s26 =	sshll.u32 s24, $0xB;
	v6 =	vor.u32 v7, v6  }
0x170: {  	s29 =	sshll.u32 s24, $0x9;
	s0 =	sadd.s32 s9, s26  }
0x171: {  	s1 =	sand.u32 $0x200, s29;
	s0 =	sand.u32 $0x3FF000, s0  }
0x172: {  	s30 =	sadd.s32 $0x10, s28;
	s0 =	sor.u32 s1, s0  }
0x173: {  	s0 =	sshrl.u32 s0, $0x3;
	[tilespmem:s30+$0x0] =	vst v5  }
0x174: {  	s31 =	simm.s32 $0x800;
	s28 =	simm.s32 $0x1000;
	s26 =	sadd.s32 s2, s0;
	[tilespmem:v6+s17+$0x0] =	vst.idx.msk $0xffff, v1  }
0x175: {  	[hbm4b:s26+s18] =	stream.strided.scatter [tilespmem:s31], [sflag:$0x3], $0x400, s15, s18, $0x38;
	[tilespmem:$0x10400] =	vst v63  }
.LBB2_13:
0x176: {  	p1 =	sne.s32 s28, $0x1D000  }
.Ltmp7:
0x177: {  	_ = 	snop;
	(pc) =	sbr.rel @p1 .LBB2_13-.Ltmp7, $4  }
0x178: {  	_ = 	snop  }
0x179: {  	s0 =	sshra.s32 s28, $0x2;
	s28 =	sadd.s32 $0x1000, s28  }
0x17a: {  	s26 =	sadd.s32 $0x28000, s26;
	s0 =	sadd.s32 $0x800, s0  }
0x17b: {  	[hbm4b:s26+s18] =	stream.strided.scatter [tilespmem:s0], [sflag:$0x3], $0x400, s15, s18, $0x38;
	[tilespmem:$0x10400] =	vst v63  }
0x17c: {  	p1 =	sne.s32 s24, $0x13  }
.Ltmp8:
0x17d: {  	_ = 	snop;
	(pc) =	sbr.rel @p1 .LBB2_16-.Ltmp8, $1  }
0x17e: {  	_ =	sdelay $0x3  }
.Ltmp9:
0x17f: {  	(pc) =	sbr.rel .LBB2_17-.Ltmp9, $4  }
0x180: {  	_ = 	snop  }
0x181: {  	_ =	swait.ge [sflag:s19], $0x400  }
0x182: {  	[sflag:s19] =	ssyncset.done $0x0  }
0x183: {  	[sflag:s19] =	ssyncadd.s32 $0xFFFFFC00  }
.LBB2_16:
0x184: {  	s0 =	sadd.s32 s25, s10  }
0x185: {  	s0 =	sshll.u32 s0, $0x6  }
0x186: {  	s0 =	sand.u32 $0x1FFFFF00, s0  }
.Ltmp10:
0x187: {  	s0 =	sadd.s32 s4, s0;
	(pc) =	sbr.rel @p0 .LBB2_20-.Ltmp10, $4  }
0x188: {  	[tilespmem:s3], [sflag:$0x1] =	stream.linear.gather [hbm4b:s0+s3], $0x400, $0x38;
	[tilespmem:$0x10400] =	vst v63  }
0x189: {  	_ =	swait.ge [sflag:s19], $0x400  }
0x18a: {  	[sflag:s19] =	ssyncset.done $0x0  }
0x18b: {  	[sflag:s19] =	ssyncadd.s32 $0xFFFFFC00  }
.LBB2_17:
0x18c: {  	_ =	swait.ge [sflag:s20], $0x7800;
	s28 =	simm.s32 $0x0  }
0x18d: {  	s26 =	simm.s32 $0xFC00;
	s31 =	simm.s32 $0x0;
	[sflag:s20] =	ssyncset.done $0x0  }
0x18e: {  	s29 =	simm.s32 $0x1;
	s30 =	sand.u32 $0x1F0, s28;
	[sflag:s20] =	ssyncadd.s32 $0xFFFF8800  }
.LBB2_18:
0x18f: {  	p0 =	sne.s32 s29, $0x3F;
	v5 =	vld [tilespmem:s26+$0x0];
	v6 =	vmov s31;
	v7 =	vmov s30  }
0x190: {  	v7 =	vshll.u32 v7, $0x1;
	v6 =	vshll.u32 v6, $0x7  }
0x191: {  	v7 =	vand.u32 $0x300, v7;
	v6 =	vand.u32 $0x80, v6  }
0x192: {  	v6 =	vor.u32 v6, v7  }
0x193: {  	v6 =	vbroadcast v6, $0x0  }
0x194: {  	v7 =	vor.u32 s30, v2;
	v5 =	vshll.u32 v5, $0xA  }
0x195: {  	v7 =	vand.u32 $0x7F, v7;
	v5 =	vor.u32 v6, v5  }
0x196: {  	v5 =	vor.u32 v7, v5  }
.Ltmp11:
0x197: {  	(pc) =	sbr.rel @p0 .LBB2_18-.Ltmp11, $3  }
0x198: {  	_ =	sdelay $0x1  }
0x199: {  	s28 =	sadd.s32 $0x10, s28;
	s26 =	sadd.s32 $0x10, s26  }
0x19a: {  	s31 =	sshrl.u32 s29, $0x5;
	s29 =	sadd.s32 $0x1, s29;
	s30 =	sand.u32 $0x1F0, s28;
	[tilespmem:v5+s21+$0x0] =	vst.idx.msk $0xffff, v0  }
0x19b: {  	v5 =	vld [tilespmem:s26+$0x0];
	v6 =	vmov s31;
	v7 =	vmov s30  }
0x19c: {  	v7 =	vshll.u32 v7, $0x1;
	v6 =	vshll.u32 v6, $0x7  }
0x19d: {  	v7 =	vand.u32 $0x300, v7;
	v6 =	vand.u32 $0x80, v6  }
0x19e: {  	v6 =	vor.u32 v6, v7  }
0x19f: {  	v6 =	vbroadcast v6, $0x0  }
0x1a0: {  	v7 =	vor.u32 s30, v2;
	v5 =	vshll.u32 v5, $0xA  }
0x1a1: {  	v7 =	vand.u32 $0x7F, v7;
	v5 =	vor.u32 v6, v5  }
0x1a2: {  	v5 =	vor.u32 v7, v5;
	_ =	sdelay $0x4  }
0x1a3: {  	[tilespmem:v5+s21+$0x0] =	vst.idx.msk $0xffff, v0  }
.LBB2_20:
0x1a4: {  	s0 =	simm.s32 $0x400  }
0x1a5: {  	v5 =	vld [tilespmem:s0+$0x0];
	_ =	sdelay $0x4  }
0x1a6: {  	v5 =	vsub.f32 v5, v3;
	_ =	sdelay $0x1  }
0x1a7: {  	v5 =	vmul.f32 v5, v4;
	_ =	sdelay $0x1  }
0x1a8: {  	v5 =	vsub.f32 $1.000000000e+00, v5;
	_ =	sdelay $0x1  }
0x1a9: {  	v5 =	vmul.f32 $2.900000000e+01, v5  }
0x1aa: {  	s28 =	simm.s32 $0x0  }
0x1ab: {  	s26 =	simm.s32 $0x0;
	s1 =	sand.u32 $0x1F0, s28;
	v5 =	vtrunc.f32 v5  }
0x1ac: {  	v6 =	vmov s26;
	v7 =	vmov s1;
	v5 =	vcvt.f32.s32 v5  }
0x1ad: {  	v6 =	vshll.u32 v6, $0x7;
	v7 =	vshll.u32 v7, $0x1  }
0x1ae: {  	v6 =	vand.u32 $0x80, v6;
	v7 =	vand.u32 $0x300, v7;
	vm0 =	vgt.s32 v5, $0x0  }
0x1af: {  	v6 =	vor.u32 v6, v7;
	v5 =	vnsel vm0, $0x0, v5  }
0x1b0: {  	v6 =	vbroadcast v6, $0x0;
	v5 =	vmin.u32 v5, $0x1D  }
0x1b1: {  	v7 =	vor.u32 s1, v2;
	v8 =	vshll.u32 v5, $0xA  }
0x1b2: {  	v7 =	vand.u32 $0x7F, v7;
	v6 =	vor.u32 v6, v8  }
0x1b3: {  	v6 =	vor.u32 v7, v6;
	_ =	sdelay $0x2  }
0x1b4: {  	s26 =	simm.s32 $0xFC00  }
0x1b5: {  	[tilespmem:s26+$0x0] =	vst v5  }
0x1b6: {  	s30 =	simm.s32 $0x410;
	[tilespmem:v6+s21+$0x0] =	vst.idx.msk $0xffff, v1  }
0x1b7: {  	s29 =	simm.s32 $0x1;
	s31 =	simm.s32 $0x2;
	v5 =	vld [tilespmem:s30+$0x0]  }
.LBB2_21:
0x1b8: {  	p0 =	sne.s32 s31, $0x3F;
	_ =	sdelay $0x3  }
0x1b9: {  	v5 =	vsub.f32 v5, v3;
	_ =	sdelay $0x1  }
0x1ba: {  	v5 =	vmul.f32 v5, v4;
	_ =	sdelay $0x1  }
0x1bb: {  	v5 =	vsub.f32 $1.000000000e+00, v5;
	_ =	sdelay $0x1  }
0x1bc: {  	v5 =	vmul.f32 $2.900000000e+01, v5  }
0x1bd: {  	s28 =	sadd.s32 $0x10, s28  }
0x1be: {  	s0 =	sshrl.u32 s29, $0x5;
	s29 =	smov.u32 s31;
	s1 =	sand.u32 $0x1F0, s28;
	v5 =	vtrunc.f32 v5  }
0x1bf: {  	v6 =	vmov s0;
	v7 =	vmov s1;
	v5 =	vcvt.f32.s32 v5  }
0x1c0: {  	v6 =	vshll.u32 v6, $0x7;
	v7 =	vshll.u32 v7, $0x1  }
0x1c1: {  	v6 =	vand.u32 $0x80, v6;
	v7 =	vand.u32 $0x300, v7;
	vm0 =	vgt.s32 v5, $0x0  }
0x1c2: {  	v6 =	vor.u32 v6, v7;
	v5 =	vnsel vm0, $0x0, v5  }
0x1c3: {  	s26 =	sadd.s32 $0x10, s26;
	v6 =	vbroadcast v6, $0x0;
	v5 =	vmin.u32 v5, $0x1D  }
0x1c4: {  	v7 =	vor.u32 s1, v2;
	[tilespmem:s26+$0x0] =	vst v5;
	v5 =	vshll.u32 v5, $0xA  }
0x1c5: {  	v7 =	vand.u32 $0x7F, v7;
	v5 =	vor.u32 v6, v5  }
0x1c6: {  	v5 =	vor.u32 v7, v5;
	_ =	sdelay $0x1  }
.Ltmp12:
0x1c7: {  	(pc) =	sbr.rel @p0 .LBB2_21-.Ltmp12, $3  }
0x1c8: {  	_ =	sdelay $0x1  }
0x1c9: {  	s30 =	sadd.s32 $0x10, s30;
	[tilespmem:v5+s21+$0x0] =	vst.idx.msk $0xffff, v1  }
0x1ca: {  	s31 =	sadd.s32 $0x1, s31;
	v5 =	vld [tilespmem:s30+$0x0]  }
0x1cb: {  	_ =	sdelay $0x3  }
0x1cc: {  	v5 =	vsub.f32 v5, v3;
	_ =	sdelay $0x1  }
0x1cd: {  	v5 =	vmul.f32 v5, v4;
	_ =	sdelay $0x1  }
0x1ce: {  	v5 =	vsub.f32 $1.000000000e+00, v5;
	_ =	sdelay $0x1  }
0x1cf: {  	v5 =	vmul.f32 $2.900000000e+01, v5  }
0x1d0: {  	s0 =	sadd.s32 $0x10, s28  }
0x1d1: {  	s1 =	sshrl.u32 s29, $0x5;
	s0 =	sand.u32 $0x1F0, s0;
	v5 =	vtrunc.f32 v5  }
0x1d2: {  	v6 =	vmov s1;
	v7 =	vmov s0;
	v5 =	vcvt.f32.s32 v5  }
0x1d3: {  	v6 =	vshll.u32 v6, $0x7;
	v7 =	vshll.u32 v7, $0x1  }
0x1d4: {  	v6 =	vand.u32 $0x80, v6;
	v7 =	vand.u32 $0x300, v7;
	vm0 =	vgt.s32 v5, $0x0  }
0x1d5: {  	v6 =	vor.u32 v6, v7;
	v5 =	vnsel vm0, $0x0, v5  }
0x1d6: {  	v6 =	vbroadcast v6, $0x0;
	v5 =	vmin.u32 v5, $0x1D  }
0x1d7: {  	v7 =	vor.u32 s0, v2;
	v8 =	vshll.u32 v5, $0xA  }
0x1d8: {  	v7 =	vand.u32 $0x7F, v7;
	v6 =	vor.u32 v6, v8  }
0x1d9: {  	v6 =	vor.u32 v7, v6  }
0x1da: {  	s29 =	sadd.s32 s6, s25;
	s30 =	sshll.u32 s24, $0x6  }
0x1db: {  	s1 =	sand.u32 $0x40, s30;
	s0 =	sshll.u32 s29, $0x6  }
0x1dc: {  	s26 =	sadd.s32 $0x10, s26;
	s1 =	sadd.s32 s1, s2;
	s0 =	sand.u32 $0xFFFFE00, s0  }
0x1dd: {  	s0 =	sadd.s32 s0, s1;
	[tilespmem:s26+$0x0] =	vst v5  }
0x1de: {  	s31 =	simm.s32 $0x8000;
	s28 =	simm.s32 $0x1000;
	s26 =	sadd.s32 $0x20, s0;
	[tilespmem:v6+s21+$0x0] =	vst.idx.msk $0xffff, v1  }
0x1df: {  	[hbm4b:s26+s18] =	stream.strided.scatter [tilespmem:s31], [sflag:$0x4], $0x400, s15, s18, $0x38;
	[tilespmem:$0x10400] =	vst v63  }
.LBB2_23:
0x1e0: {  	p0 =	sne.s32 s28, $0x1D000  }
.Ltmp13:
0x1e1: {  	_ = 	snop;
	(pc) =	sbr.rel @p0 .LBB2_23-.Ltmp13, $4  }
0x1e2: {  	_ = 	snop  }
0x1e3: {  	s0 =	sshra.s32 s28, $0x2;
	s28 =	sadd.s32 $0x1000, s28  }
0x1e4: {  	s26 =	sadd.s32 $0x28000, s26;
	s0 =	sadd.s32 $0x8000, s0  }
0x1e5: {  	[hbm4b:s26+s18] =	stream.strided.scatter [tilespmem:s0], [sflag:$0x4], $0x400, s15, s18, $0x38;
	[tilespmem:$0x10400] =	vst v63  }
0x1e6: {  	p0 =	seq.s32 s24, $0x13  }
.Ltmp14:
0x1e7: {  	_ = 	snop;
	(pc) =	sbr.rel @p0 .LBB2_26-.Ltmp14, $1  }
0x1e8: {  	_ =	sdelay $0x3  }
.Ltmp15:
0x1e9: {  	s0 =	sadd.s32 s25, s11;
	(pc) =	sbr.rel .LBB2_6-.Ltmp15, $4  }
0x1ea: {  	s0 =	sshll.u32 s0, $0x6  }
0x1eb: {  	s0 =	sand.u32 $0x1FFFFF80, s0  }
0x1ec: {  	s24 =	sadd.s32 $0x1, s24;
	s0 =	sadd.s32 s4, s0  }
0x1ed: {  	[tilespmem:s15], [sflag:$0x2] =	stream.linear.gather [hbm4b:s0+s3], $0x400, $0x38;
	[tilespmem:$0x10400] =	vst v63  }
.LBB2_27:
0x1ee: {  	_ =	sfence.sel $0x180000  }
0x1ef: {  	[bflag:$0x0] =	sbarrier.arrive $0xFFFF  }
0x1f0: {  	_ =	strace $0x90000047  }
0x1f1: {  	s0 =	stileid.u32;
	[bflag:$0x2] =	sbarrier.arrive $0xFFFF  }
0x1f2: {  	p0 =	sne.s32 s0, $0x0;
	s0 =	rddreg [dreg:$0x2]  }
0x1f3: {  	s0 =	sadd.s32 @!p0 $0x100000, s0  }
0x1f4: {  	[sflag:s0] =	ssyncadd.tile.s32 @!p0 $0x1;
	_ =	shalt  }
.Lfunc_end2:
_tile_overlayer_lowered:
.L_overlay_start_2:
0x1f5: {  	(tag) =	ssettag $0x2  }
0x1f6: {  	s0 =	rddreg [dreg:$0x0];
	s2 =	stileid.u32  }
0x1f7: {  	s1 =	rddreg [dreg:$0x1];
	p0 =	sne.s32 s2, $0x0  }
0x1f8: {  	s3 =	rddreg [dreg:$0x2];
	[bflag:$0x3] =	sbarrier.arrive $0xFFFF;
	s2 =	simm.s32 @!p0 $0x1C05  }
0x1f9: {  	[timem:s3], [sflag:s2] =	dma.local @!p0 [hbm:s0], s1  }
0x1fa: {  	s0 =	simm.s32 @!p0 $0x5  }
0x1fb: {  	_ =	swait.ge @!p0 [sflag:s0], s1  }
0x1fc: {  	s1 =	ssub.s32 @!p0 $0x0, s1;
	[sflag:s0] =	ssyncset.done @!p0 $0x0  }
0x1fd: {  	[sflag:s0] =	ssyncadd.s32 @!p0 s1  }
0x1fe: {  	[bflag:$0x3] =	sbarrier.arrive $0xFFFF  }
0x1ff: {  	_ =	shalt  }

</sc_bundles>
